<compile_context>
chip_gen: v7x
topology: tpu7x:2x2x1
jax: 0.10.2.dev20260603
libtpu: 0.0.44.dev20260713+nightly
codegen_flags: <defaults>
</compile_context>

<pallas_src>
import functools
import jax
import jax.numpy as jnp
from jax import lax
from jax.experimental import pallas as pl
from jax.experimental.pallas import tpu as pltpu
from jax.experimental.pallas import tpu_sc as plsc


def _make_sc_gather(N, D, n_per, CH):
    info = plsc.get_sparse_core_info()
    NC = info.num_cores

    mesh = plsc.VectorSubcoreMesh(core_axis_name="c", subcore_axis_name="s")

    @functools.partial(
        pl.kernel,
        mesh=mesh,
        out_type=jax.ShapeDtypeStruct((N, 2 * D), jnp.float32),
        scratch_types=[
            pltpu.VMEM((n_per,), jnp.int32),
            pltpu.VMEM((n_per,), jnp.int32),
            pltpu.VMEM((3, 2 * CH, D), jnp.float32),
            pltpu.SemaphoreType.DMA,
            pltpu.SemaphoreType.DMA,
        ],
    )
    def gather_kernel(table_hbm, idx_hbm, out_hbm, idx1_v, idx2_v, stage_v,
                      gsem, wsem):
        c = lax.axis_index("c")
        s = lax.axis_index("s")
        wid = s * NC + c
        base = wid * n_per
        pltpu.sync_copy(idx_hbm.at[0, pl.ds(base, n_per)], idx1_v)
        pltpu.sync_copy(idx_hbm.at[1, pl.ds(base, n_per)], idx2_v)

        tasks = [(idx1_v, 0, r) for r in range(0, n_per, 2 * CH)]
        tasks += [(idx2_v, D, r) for r in range(0, n_per, 2 * CH)]
        S = 3
        gath = [None] * S
        writes = [None] * S

        def start_gather(k):
            sl = k % S
            idxv, _, roff = tasks[k]
            g1 = pltpu.async_copy(
                table_hbm.at[idxv.at[pl.ds(roff, CH)]],
                stage_v.at[sl, pl.ds(0, CH)], gsem,
            )
            g2 = pltpu.async_copy(
                table_hbm.at[idxv.at[pl.ds(roff + CH, CH)]],
                stage_v.at[sl, pl.ds(CH, CH)], gsem,
            )
            gath[sl] = (g1, g2)

        def start_write(k):
            sl = k % S
            _, coloff, roff = tasks[k]
            gath[sl][0].wait()
            gath[sl][1].wait()
            writes[sl] = pltpu.async_copy(
                stage_v.at[sl],
                out_hbm.at[pl.ds(base + roff, 2 * CH), pl.ds(coloff, D)],
                wsem,
            )

        nt = len(tasks)
        for k in range(nt):
            sl = k % S
            if writes[sl] is not None:
                writes[sl].wait()
                writes[sl] = None
            start_gather(k)
            if k >= 2:
                start_write(k - 2)
        for k in range(max(0, nt - 2), nt):
            start_write(k)
        for sl in range(S):
            if writes[sl] is not None:
                writes[sl].wait()

    return gather_kernel


_IB = 32


def _mlp_body(g_ref, w1_ref, b1_ref, w2_ref, b2_ref, i_ref, out_ref):
    H = i_ref.shape[0]
    f = g_ref[0, 0]
    t = jnp.dot(
        f.astype(jnp.bfloat16), w1_ref[...].astype(jnp.bfloat16),
        preferred_element_type=jnp.float32,
    ) + b1_ref[...]
    h = jnp.maximum(t, 0.0)
    o = jnp.dot(h, w2_ref[...], preferred_element_type=jnp.float32)
    rows = [
        lax.dot_general(
            o[r * H:(r + 1) * H], i_ref[...], (((0,), (0,)), ((), ())),
            preferred_element_type=jnp.float32,
        )
        for r in range(_IB)
    ]
    out_ref[0] = jnp.concatenate(rows, axis=0) + b2_ref[...]


def _mlp_call(gathered, W1, b1r, W2, b2row, I, B, H, D, interpret=False):
    n = _IB * H
    grid = (B, H // _IB)
    return pl.pallas_call(
        _mlp_body,
        grid=grid,
        in_specs=[
            pl.BlockSpec((1, 1, n, 2 * D), lambda b, i: (b, i, 0, 0)),
            pl.BlockSpec((2 * D, 64), lambda b, i: (0, 0)),
            pl.BlockSpec((1, 64), lambda b, i: (0, 0)),
            pl.BlockSpec((64, 1), lambda b, i: (0, 0)),
            pl.BlockSpec((1, H), lambda b, i: (0, 0)),
            pl.BlockSpec((H, H), lambda b, i: (0, 0)),
        ],
        out_specs=pl.BlockSpec((1, _IB, H), lambda b, i: (b, i, 0)),
        out_shape=jax.ShapeDtypeStruct((B, H, H), jnp.float32),
        interpret=interpret,
    )(gathered.reshape(B, H // _IB, n, 2 * D), W1, b1r, W2, b2row, I)


def kernel(pair_repr, helix_ends_list, W1, b1, W2, b2):
    B, L, _, D = pair_repr.shape
    H = helix_ends_list.shape[1]
    i5 = helix_ends_list[:, :, 1]
    i3 = helix_ends_list[:, :, 2]

    boff = (jnp.arange(B, dtype=jnp.int32) * (L * L))[:, None, None]
    idx1 = boff + i5[:, :, None] * L + i5[:, None, :]
    idx2 = boff + i3[:, :, None] * L + i3[:, None, :]
    idx_all = jnp.stack([idx1.reshape(-1), idx2.reshape(-1)], axis=0)

    table = pair_repr.reshape(B * L * L, D)
    N = B * H * H
    n_per = N // 32
    gather_fn = _make_sc_gather(N, D, n_per, 128)
    gathered = gather_fn(table, idx_all)

    b2row = jnp.broadcast_to(b2.reshape(1, 1), (1, H))
    I = jnp.eye(H, dtype=jnp.float32)
    return _mlp_call(gathered, W1, b1.reshape(1, 64), W2, b2row, I, B, H, D)

# --- scband reference (transcript-rebuilt; emitter-appended) ---
"""Pipeline reference for scband-coaxial-stacking-head-14568529068615 (READ-ONLY COPY).

The authoritative reference and input builder live on the scoring server;
editing this copy changes nothing except your own understanding.
"""

import jax, jax.numpy as jnp
import numpy as np

B, L, D, H = 2, 512, 128, 128

def setup_inputs(seed: int = 0) -> dict:
    key = jax.random.key(seed)
    k1, k2, k3, k4 = jax.random.split(key, 4)
    pair_repr = jax.random.normal(k1, (B, L, L, D), dtype=jnp.float32)
    helix_ends_list = jax.random.randint(k2, (B, H, 4), 0, L)
    W1 = jax.random.normal(k3, (2 * D, 64), dtype=jnp.float32) * 0.05
    b1 = jnp.zeros((64,), dtype=jnp.float32)
    W2 = jax.random.normal(k4, (64, 1), dtype=jnp.float32) * 0.05
    b2 = jnp.zeros((1,), dtype=jnp.float32)
    return {"pair_repr": pair_repr, "helix_ends_list": helix_ends_list,
            "W1": W1, "b1": b1, "W2": W2, "b2": b2}

def reference(pair_repr, helix_ends_list, W1, b1, W2, b2):
    Hn = helix_ends_list.shape[1]
    idx_5p_end = helix_ends_list[:, :, 1]
    idx_3p_start = helix_ends_list[:, :, 2]
    ii, jj = jnp.meshgrid(jnp.arange(Hn), jnp.arange(Hn), indexing='ij')
    ii_flat = ii.reshape(-1)
    jj_flat = jj.reshape(-1)

    def per_batch(pr, i5, i3):
        row1 = i5[ii_flat]
        col1 = i5[jj_flat]
        feat1 = pr[row1, col1]
        row2 = i3[ii_flat]
        col2 = i3[jj_flat]
        feat2 = pr[row2, col2]
        feats = jnp.concatenate([feat1, feat2], axis=-1)
        h = jnp.maximum(feats @ W1 + b1, 0.0)
        out = (h @ W2 + b2)[:, 0]
        return out.reshape(Hn, Hn)

    return jax.vmap(per_batch)(pair_repr, idx_5p_end, idx_3p_start)

if __name__ == "__main__":
    import jax
    _d = setup_inputs()
    print(jax.jit(kernel)(*tuple(_d.values())))

</pallas_src>

<mosaic_0001>
#map = affine_map<(d0, d1) -> (0, 0)>
module attributes {stable_mosaic.version = 14 : i64} {
  func.func @gather_kernel(%arg0: i32, %arg1: i32, %arg2: memref<524288x128xf32, #tpu.memory_space<hbm>>, %arg3: memref<2x32768xi32, #tpu.memory_space<hbm>>, %arg4: memref<32768x256xf32, #tpu.memory_space<hbm>>, %arg5: memref<1024xi32, #tpu.memory_space<vmem>>, %arg6: memref<1024xi32, #tpu.memory_space<vmem>>, %arg7: memref<3x256x128xf32, #tpu.memory_space<vmem>>, %arg8: memref<!tpu.dma_semaphore, #tpu.memory_space<semaphore_mem>>, %arg9: memref<!tpu.dma_semaphore, #tpu.memory_space<semaphore_mem>>) attributes {dimension_semantics = [#tpu.dimension_semantics<core_parallel>, #tpu.dimension_semantics<subcore_parallel>], iteration_bounds = array<i64: 2, 16>, scalar_prefetch = 0 : i64, scratch_operands = 5 : i64, tpu.core_type = #tpu.core_type<sc_vector_subcore>, window_params = [{transform_indices = #map}, {transform_indices = #map}, {transform_indices = #map}]} {
    %mul3A = arith.constant 2 : i32
    %mul3A_0 = arith.muli %arg1, %mul3A : i32
    %add3A = arith.addi %mul3A_0, %arg0 : i32
    %mul3A_1 = arith.constant 1024 : i32
    %mul3A_2 = arith.muli %add3A, %mul3A_1 : i32
    %run_scoped3A = arith.constant 0 : i32
    "tpu.region"() ({
      %run_scoped3A_546 = tpu.sem_alloc : memref<!tpu.dma_semaphore, #tpu.memory_space<semaphore_mem>>
      %dma_start3A_547 = tpu.memref_slice %arg3[%run_scoped3A, %mul3A_2] : memref<2x32768xi32, #tpu.memory_space<hbm>> -> memref<1x1024xi32, #tpu.memory_space<hbm>>
      %dma_start3A_548 = tpu.memref_squeeze %dma_start3A_547 : memref<1x1024xi32, #tpu.memory_space<hbm>> -> memref<1024xi32, #tpu.memory_space<hbm>>
      %dma_start3A_549 = tpu.memref_slice %arg3[%run_scoped3A, %mul3A_2] : memref<2x32768xi32, #tpu.memory_space<hbm>> -> memref<1x1024xi32, #tpu.memory_space<hbm>>
      %dma_start3A_550 = tpu.memref_squeeze %dma_start3A_549 : memref<1x1024xi32, #tpu.memory_space<hbm>> -> memref<1024xi32, #tpu.memory_space<hbm>>
      tpu.enqueue_dma source(%dma_start3A_550 : memref<1024xi32, #tpu.memory_space<hbm>>) target(%arg5 : memref<1024xi32, #tpu.memory_space<vmem>>) target_semaphore(%run_scoped3A_546 : memref<!tpu.dma_semaphore, #tpu.memory_space<semaphore_mem>>)
      %dma_wait3A_551 = tpu.memref_slice %arg3[%run_scoped3A, %mul3A_2] : memref<2x32768xi32, #tpu.memory_space<hbm>> -> memref<1x1024xi32, #tpu.memory_space<hbm>>
      %dma_wait3A_552 = tpu.memref_squeeze %dma_wait3A_551 : memref<1x1024xi32, #tpu.memory_space<hbm>> -> memref<1024xi32, #tpu.memory_space<hbm>>
      %dma_wait3A_553 = tpu.memref_slice %arg3[%run_scoped3A, %mul3A_2] : memref<2x32768xi32, #tpu.memory_space<hbm>> -> memref<1x1024xi32, #tpu.memory_space<hbm>>
      %dma_wait3A_554 = tpu.memref_squeeze %dma_wait3A_553 : memref<1x1024xi32, #tpu.memory_space<hbm>> -> memref<1024xi32, #tpu.memory_space<hbm>>
      tpu.wait_dma2 semaphore(%run_scoped3A_546 : memref<!tpu.dma_semaphore, #tpu.memory_space<semaphore_mem>>) src(%dma_wait3A_554 : memref<1024xi32, #tpu.memory_space<hbm>>) dst(%arg5 : memref<1024xi32, #tpu.memory_space<vmem>>)
      tpu.yield
    }) : () -> ()
    %run_scoped3A_3 = arith.constant 1 : i32
    "tpu.region"() ({
      %run_scoped3A_546 = tpu.sem_alloc : memref<!tpu.dma_semaphore, #tpu.memory_space<semaphore_mem>>
      %dma_start3A_547 = tpu.memref_slice %arg3[%run_scoped3A_3, %mul3A_2] : memref<2x32768xi32, #tpu.memory_space<hbm>> -> memref<1x1024xi32, #tpu.memory_space<hbm>>
      %dma_start3A_548 = tpu.memref_squeeze %dma_start3A_547 : memref<1x1024xi32, #tpu.memory_space<hbm>> -> memref<1024xi32, #tpu.memory_space<hbm>>
      %dma_start3A_549 = tpu.memref_slice %arg3[%run_scoped3A_3, %mul3A_2] : memref<2x32768xi32, #tpu.memory_space<hbm>> -> memref<1x1024xi32, #tpu.memory_space<hbm>>
      %dma_start3A_550 = tpu.memref_squeeze %dma_start3A_549 : memref<1x1024xi32, #tpu.memory_space<hbm>> -> memref<1024xi32, #tpu.memory_space<hbm>>
      tpu.enqueue_dma source(%dma_start3A_550 : memref<1024xi32, #tpu.memory_space<hbm>>) target(%arg6 : memref<1024xi32, #tpu.memory_space<vmem>>) target_semaphore(%run_scoped3A_546 : memref<!tpu.dma_semaphore, #tpu.memory_space<semaphore_mem>>)
      %dma_wait3A_551 = tpu.memref_slice %arg3[%run_scoped3A_3, %mul3A_2] : memref<2x32768xi32, #tpu.memory_space<hbm>> -> memref<1x1024xi32, #tpu.memory_space<hbm>>
      %dma_wait3A_552 = tpu.memref_squeeze %dma_wait3A_551 : memref<1x1024xi32, #tpu.memory_space<hbm>> -> memref<1024xi32, #tpu.memory_space<hbm>>
      %dma_wait3A_553 = tpu.memref_slice %arg3[%run_scoped3A_3, %mul3A_2] : memref<2x32768xi32, #tpu.memory_space<hbm>> -> memref<1x1024xi32, #tpu.memory_space<hbm>>
      %dma_wait3A_554 = tpu.memref_squeeze %dma_wait3A_553 : memref<1x1024xi32, #tpu.memory_space<hbm>> -> memref<1024xi32, #tpu.memory_space<hbm>>
      tpu.wait_dma2 semaphore(%run_scoped3A_546 : memref<!tpu.dma_semaphore, #tpu.memory_space<semaphore_mem>>) src(%dma_wait3A_554 : memref<1024xi32, #tpu.memory_space<hbm>>) dst(%arg6 : memref<1024xi32, #tpu.memory_space<vmem>>)
      tpu.yield
    }) : () -> ()
    %dma_start3A = arith.constant 0 : i32
    %dma_start3A_4 = arith.constant 0 : i32
    %dma_start3A_5 = arith.constant 0 : i32
    %dma_start3A_6 = tpu.memref_slice %arg7[%dma_start3A, %dma_start3A_4, %dma_start3A_5] : memref<3x256x128xf32, #tpu.memory_space<vmem>> -> memref<1x128x128xf32, #tpu.memory_space<vmem>>
    %dma_start3A_7 = tpu.memref_squeeze %dma_start3A_6 : memref<1x128x128xf32, #tpu.memory_space<vmem>> -> memref<128x128xf32, #tpu.memory_space<vmem>>
    %dma_start3A_8 = arith.constant 0 : i32
    %dma_start3A_9 = tpu.memref_slice %arg5[%dma_start3A_8] : memref<1024xi32, #tpu.memory_space<vmem>> -> memref<128xi32, #tpu.memory_space<vmem>>
    %dma_start3A_10 = arith.constant 0 : i32
    %dma_start3A_11 = arith.constant 0 : i32
    %dma_start3A_12 = tpu.memref_slice %arg2[%dma_start3A_10, %dma_start3A_11] : memref<524288x128xf32, #tpu.memory_space<hbm>> -> memref<524288x128xf32, #tpu.memory_space<hbm>>
    tpu.enqueue_indirect_dma source(%dma_start3A_12 : memref<524288x128xf32, #tpu.memory_space<hbm>>) target(%dma_start3A_7 : memref<128x128xf32, #tpu.memory_space<vmem>>) offsets(%dma_start3A_9 : memref<128xi32, #tpu.memory_space<vmem>>) semaphore(%arg8 : memref<!tpu.dma_semaphore, #tpu.memory_space<semaphore_mem>>)
    %dma_start3A_13 = arith.constant 0 : i32
    %dma_start3A_14 = arith.constant 128 : i32
    %dma_start3A_15 = arith.constant 0 : i32
    %dma_start3A_16 = tpu.memref_slice %arg7[%dma_start3A_13, %dma_start3A_14, %dma_start3A_15] : memref<3x256x128xf32, #tpu.memory_space<vmem>> -> memref<1x128x128xf32, #tpu.memory_space<vmem>>
    %dma_start3A_17 = tpu.memref_squeeze %dma_start3A_16 : memref<1x128x128xf32, #tpu.memory_space<vmem>> -> memref<128x128xf32, #tpu.memory_space<vmem>>
    %dma_start3A_18 = arith.constant 128 : i32
    %dma_start3A_19 = tpu.memref_slice %arg5[%dma_start3A_18] : memref<1024xi32, #tpu.memory_space<vmem>> -> memref<128xi32, #tpu.memory_space<vmem>>
    %dma_start3A_20 = arith.constant 0 : i32
    %dma_start3A_21 = arith.constant 0 : i32
    %dma_start3A_22 = tpu.memref_slice %arg2[%dma_start3A_20, %dma_start3A_21] : memref<524288x128xf32, #tpu.memory_space<hbm>> -> memref<524288x128xf32, #tpu.memory_space<hbm>>
    tpu.enqueue_indirect_dma source(%dma_start3A_22 : memref<524288x128xf32, #tpu.memory_space<hbm>>) target(%dma_start3A_17 : memref<128x128xf32, #tpu.memory_space<vmem>>) offsets(%dma_start3A_19 : memref<128xi32, #tpu.memory_space<vmem>>) semaphore(%arg8 : memref<!tpu.dma_semaphore, #tpu.memory_space<semaphore_mem>>)
    %dma_start3A_23 = arith.constant 1 : i32
    %dma_start3A_24 = arith.constant 0 : i32
    %dma_start3A_25 = arith.constant 0 : i32
    %dma_start3A_26 = tpu.memref_slice %arg7[%dma_start3A_23, %dma_start3A_24, %dma_start3A_25] : memref<3x256x128xf32, #tpu.memory_space<vmem>> -> memref<1x128x128xf32, #tpu.memory_space<vmem>>
    %dma_start3A_27 = tpu.memref_squeeze %dma_start3A_26 : memref<1x128x128xf32, #tpu.memory_space<vmem>> -> memref<128x128xf32, #tpu.memory_space<vmem>>
    %dma_start3A_28 = arith.constant 256 : i32
    %dma_start3A_29 = tpu.memref_slice %arg5[%dma_start3A_28] : memref<1024xi32, #tpu.memory_space<vmem>> -> memref<128xi32, #tpu.memory_space<vmem>>
    %dma_start3A_30 = arith.constant 0 : i32
    %dma_start3A_31 = arith.constant 0 : i32
    %dma_start3A_32 = tpu.memref_slice %arg2[%dma_start3A_30, %dma_start3A_31] : memref<524288x128xf32, #tpu.memory_space<hbm>> -> memref<524288x128xf32, #tpu.memory_space<hbm>>
    tpu.enqueue_indirect_dma source(%dma_start3A_32 : memref<524288x128xf32, #tpu.memory_space<hbm>>) target(%dma_start3A_27 : memref<128x128xf32, #tpu.memory_space<vmem>>) offsets(%dma_start3A_29 : memref<128xi32, #tpu.memory_space<vmem>>) semaphore(%arg8 : memref<!tpu.dma_semaphore, #tpu.memory_space<semaphore_mem>>)
    %dma_start3A_33 = arith.constant 1 : i32
    %dma_start3A_34 = arith.constant 128 : i32
    %dma_start3A_35 = arith.constant 0 : i32
    %dma_start3A_36 = tpu.memref_slice %arg7[%dma_start3A_33, %dma_start3A_34, %dma_start3A_35] : memref<3x256x128xf32, #tpu.memory_space<vmem>> -> memref<1x128x128xf32, #tpu.memory_space<vmem>>
    %dma_start3A_37 = tpu.memref_squeeze %dma_start3A_36 : memref<1x128x128xf32, #tpu.memory_space<vmem>> -> memref<128x128xf32, #tpu.memory_space<vmem>>
    %dma_start3A_38 = arith.constant 384 : i32
    %dma_start3A_39 = tpu.memref_slice %arg5[%dma_start3A_38] : memref<1024xi32, #tpu.memory_space<vmem>> -> memref<128xi32, #tpu.memory_space<vmem>>
    %dma_start3A_40 = arith.constant 0 : i32
    %dma_start3A_41 = arith.constant 0 : i32
    %dma_start3A_42 = tpu.memref_slice %arg2[%dma_start3A_40, %dma_start3A_41] : memref<524288x128xf32, #tpu.memory_space<hbm>> -> memref<524288x128xf32, #tpu.memory_space<hbm>>
    tpu.enqueue_indirect_dma source(%dma_start3A_42 : memref<524288x128xf32, #tpu.memory_space<hbm>>) target(%dma_start3A_37 : memref<128x128xf32, #tpu.memory_space<vmem>>) offsets(%dma_start3A_39 : memref<128xi32, #tpu.memory_space<vmem>>) semaphore(%arg8 : memref<!tpu.dma_semaphore, #tpu.memory_space<semaphore_mem>>)
    %dma_start3A_43 = arith.constant 2 : i32
    %dma_start3A_44 = arith.constant 0 : i32
    %dma_start3A_45 = arith.constant 0 : i32
    %dma_start3A_46 = tpu.memref_slice %arg7[%dma_start3A_43, %dma_start3A_44, %dma_start3A_45] : memref<3x256x128xf32, #tpu.memory_space<vmem>> -> memref<1x128x128xf32, #tpu.memory_space<vmem>>
    %dma_start3A_47 = tpu.memref_squeeze %dma_start3A_46 : memref<1x128x128xf32, #tpu.memory_space<vmem>> -> memref<128x128xf32, #tpu.memory_space<vmem>>
    %dma_start3A_48 = arith.constant 512 : i32
    %dma_start3A_49 = tpu.memref_slice %arg5[%dma_start3A_48] : memref<1024xi32, #tpu.memory_space<vmem>> -> memref<128xi32, #tpu.memory_space<vmem>>
    %dma_start3A_50 = arith.constant 0 : i32
    %dma_start3A_51 = arith.constant 0 : i32
    %dma_start3A_52 = tpu.memref_slice %arg2[%dma_start3A_50, %dma_start3A_51] : memref<524288x128xf32, #tpu.memory_space<hbm>> -> memref<524288x128xf32, #tpu.memory_space<hbm>>
    tpu.enqueue_indirect_dma source(%dma_start3A_52 : memref<524288x128xf32, #tpu.memory_space<hbm>>) target(%dma_start3A_47 : memref<128x128xf32, #tpu.memory_space<vmem>>) offsets(%dma_start3A_49 : memref<128xi32, #tpu.memory_space<vmem>>) semaphore(%arg8 : memref<!tpu.dma_semaphore, #tpu.memory_space<semaphore_mem>>)
    %dma_start3A_53 = arith.constant 2 : i32
    %dma_start3A_54 = arith.constant 128 : i32
    %dma_start3A_55 = arith.constant 0 : i32
    %dma_start3A_56 = tpu.memref_slice %arg7[%dma_start3A_53, %dma_start3A_54, %dma_start3A_55] : memref<3x256x128xf32, #tpu.memory_space<vmem>> -> memref<1x128x128xf32, #tpu.memory_space<vmem>>
    %dma_start3A_57 = tpu.memref_squeeze %dma_start3A_56 : memref<1x128x128xf32, #tpu.memory_space<vmem>> -> memref<128x128xf32, #tpu.memory_space<vmem>>
    %dma_start3A_58 = arith.constant 640 : i32
    %dma_start3A_59 = tpu.memref_slice %arg5[%dma_start3A_58] : memref<1024xi32, #tpu.memory_space<vmem>> -> memref<128xi32, #tpu.memory_space<vmem>>
    %dma_start3A_60 = arith.constant 0 : i32
    %dma_start3A_61 = arith.constant 0 : i32
    %dma_start3A_62 = tpu.memref_slice %arg2[%dma_start3A_60, %dma_start3A_61] : memref<524288x128xf32, #tpu.memory_space<hbm>> -> memref<524288x128xf32, #tpu.memory_space<hbm>>
    tpu.enqueue_indirect_dma source(%dma_start3A_62 : memref<524288x128xf32, #tpu.memory_space<hbm>>) target(%dma_start3A_57 : memref<128x128xf32, #tpu.memory_space<vmem>>) offsets(%dma_start3A_59 : memref<128xi32, #tpu.memory_space<vmem>>) semaphore(%arg8 : memref<!tpu.dma_semaphore, #tpu.memory_space<semaphore_mem>>)
    %dma_wait3A = arith.constant 0 : i32
    %dma_wait3A_63 = arith.constant 0 : i32
    %dma_wait3A_64 = arith.constant 0 : i32
    %dma_wait3A_65 = tpu.memref_slice %arg7[%dma_wait3A, %dma_wait3A_63, %dma_wait3A_64] : memref<3x256x128xf32, #tpu.memory_space<vmem>> -> memref<1x128x128xf32, #tpu.memory_space<vmem>>
    %dma_wait3A_66 = tpu.memref_squeeze %dma_wait3A_65 : memref<1x128x128xf32, #tpu.memory_space<vmem>> -> memref<128x128xf32, #tpu.memory_space<vmem>>
    %dma_wait3A_67 = arith.constant 0 : i32
    %dma_wait3A_68 = tpu.memref_slice %arg5[%dma_wait3A_67] : memref<1024xi32, #tpu.memory_space<vmem>> -> memref<128xi32, #tpu.memory_space<vmem>>
    %dma_wait3A_69 = arith.constant 0 : i32
    %dma_wait3A_70 = arith.constant 0 : i32
    %dma_wait3A_71 = tpu.memref_slice %arg2[%dma_wait3A_69, %dma_wait3A_70] : memref<524288x128xf32, #tpu.memory_space<hbm>> -> memref<524288x128xf32, #tpu.memory_space<hbm>>
    tpu.wait_indirect_dma semaphore(%arg8 : memref<!tpu.dma_semaphore, #tpu.memory_space<semaphore_mem>>) src(%dma_wait3A_71 : memref<524288x128xf32, #tpu.memory_space<hbm>>) dst(%dma_wait3A_66 : memref<128x128xf32, #tpu.memory_space<vmem>>)
    %dma_wait3A_72 = arith.constant 0 : i32
    %dma_wait3A_73 = arith.constant 128 : i32
    %dma_wait3A_74 = arith.constant 0 : i32
    %dma_wait3A_75 = tpu.memref_slice %arg7[%dma_wait3A_72, %dma_wait3A_73, %dma_wait3A_74] : memref<3x256x128xf32, #tpu.memory_space<vmem>> -> memref<1x128x128xf32, #tpu.memory_space<vmem>>
    %dma_wait3A_76 = tpu.memref_squeeze %dma_wait3A_75 : memref<1x128x128xf32, #tpu.memory_space<vmem>> -> memref<128x128xf32, #tpu.memory_space<vmem>>
    %dma_wait3A_77 = arith.constant 128 : i32
    %dma_wait3A_78 = tpu.memref_slice %arg5[%dma_wait3A_77] : memref<1024xi32, #tpu.memory_space<vmem>> -> memref<128xi32, #tpu.memory_space<vmem>>
    %dma_wait3A_79 = arith.constant 0 : i32
    %dma_wait3A_80 = arith.constant 0 : i32
    %dma_wait3A_81 = tpu.memref_slice %arg2[%dma_wait3A_79, %dma_wait3A_80] : memref<524288x128xf32, #tpu.memory_space<hbm>> -> memref<524288x128xf32, #tpu.memory_space<hbm>>
    tpu.wait_indirect_dma semaphore(%arg8 : memref<!tpu.dma_semaphore, #tpu.memory_space<semaphore_mem>>) src(%dma_wait3A_81 : memref<524288x128xf32, #tpu.memory_space<hbm>>) dst(%dma_wait3A_76 : memref<128x128xf32, #tpu.memory_space<vmem>>)
    %add3A_82 = arith.constant 0 : i32
    %add3A_83 = arith.addi %mul3A_2, %add3A_82 : i32
    %dma_start3A_84 = arith.constant 0 : i32
    %dma_start3A_85 = arith.constant 0 : i32
    %dma_start3A_86 = arith.constant 0 : i32
    %dma_start3A_87 = tpu.memref_slice %arg7[%dma_start3A_84, %dma_start3A_85, %dma_start3A_86] : memref<3x256x128xf32, #tpu.memory_space<vmem>> -> memref<1x256x128xf32, #tpu.memory_space<vmem>>
    %dma_start3A_88 = tpu.memref_squeeze %dma_start3A_87 : memref<1x256x128xf32, #tpu.memory_space<vmem>> -> memref<256x128xf32, #tpu.memory_space<vmem>>
    %dma_start3A_89 = arith.constant 0 : i32
    %dma_start3A_90 = tpu.memref_slice %arg4[%add3A_83, %dma_start3A_89] : memref<32768x256xf32, #tpu.memory_space<hbm>> -> memref<256x128xf32, #tpu.memory_space<hbm>>
    %dma_start3A_91 = arith.constant 0 : i32
    %dma_start3A_92 = tpu.memref_slice %arg4[%add3A_83, %dma_start3A_91] : memref<32768x256xf32, #tpu.memory_space<hbm>> -> memref<256x128xf32, #tpu.memory_space<hbm>>
    %dma_start3A_93 = arith.constant 0 : i32
    %dma_start3A_94 = arith.constant 0 : i32
    %dma_start3A_95 = tpu.memref_slice %arg7[%dma_start3A_84, %dma_start3A_93, %dma_start3A_94] : memref<3x256x128xf32, #tpu.memory_space<vmem>> -> memref<1x256x128xf32, #tpu.memory_space<vmem>>
    %dma_start3A_96 = tpu.memref_squeeze %dma_start3A_95 : memref<1x256x128xf32, #tpu.memory_space<vmem>> -> memref<256x128xf32, #tpu.memory_space<vmem>>
    tpu.enqueue_dma source(%dma_start3A_96 : memref<256x128xf32, #tpu.memory_space<vmem>>) target(%dma_start3A_92 : memref<256x128xf32, #tpu.memory_space<hbm>>) target_semaphore(%arg9 : memref<!tpu.dma_semaphore, #tpu.memory_space<semaphore_mem>>)
    %dma_wait3A_97 = arith.constant 0 : i32
    %dma_wait3A_98 = arith.constant 0 : i32
    %dma_wait3A_99 = arith.constant 0 : i32
    %dma_wait3A_100 = tpu.memref_slice %arg7[%dma_wait3A_97, %dma_wait3A_98, %dma_wait3A_99] : memref<3x256x128xf32, #tpu.memory_space<vmem>> -> memref<1x256x128xf32, #tpu.memory_space<vmem>>
    %dma_wait3A_101 = tpu.memref_squeeze %dma_wait3A_100 : memref<1x256x128xf32, #tpu.memory_space<vmem>> -> memref<256x128xf32, #tpu.memory_space<vmem>>
    %dma_wait3A_102 = arith.constant 0 : i32
    %dma_wait3A_103 = tpu.memref_slice %arg4[%add3A_83, %dma_wait3A_102] : memref<32768x256xf32, #tpu.memory_space<hbm>> -> memref<256x128xf32, #tpu.memory_space<hbm>>
    %dma_wait3A_104 = arith.constant 0 : i32
    %dma_wait3A_105 = tpu.memref_slice %arg4[%add3A_83, %dma_wait3A_104] : memref<32768x256xf32, #tpu.memory_space<hbm>> -> memref<256x128xf32, #tpu.memory_space<hbm>>
    %dma_wait3A_106 = arith.constant 0 : i32
    %dma_wait3A_107 = arith.constant 0 : i32
    %dma_wait3A_108 = tpu.memref_slice %arg7[%dma_wait3A_97, %dma_wait3A_106, %dma_wait3A_107] : memref<3x256x128xf32, #tpu.memory_space<vmem>> -> memref<1x256x128xf32, #tpu.memory_space<vmem>>
    %dma_wait3A_109 = tpu.memref_squeeze %dma_wait3A_108 : memref<1x256x128xf32, #tpu.memory_space<vmem>> -> memref<256x128xf32, #tpu.memory_space<vmem>>
    tpu.wait_dma2 semaphore(%arg9 : memref<!tpu.dma_semaphore, #tpu.memory_space<semaphore_mem>>) src(%dma_wait3A_109 : memref<256x128xf32, #tpu.memory_space<vmem>>) dst(%dma_wait3A_105 : memref<256x128xf32, #tpu.memory_space<hbm>>)
    %dma_start3A_110 = arith.constant 0 : i32
    %dma_start3A_111 = arith.constant 0 : i32
    %dma_start3A_112 = arith.constant 0 : i32
    %dma_start3A_113 = tpu.memref_slice %arg7[%dma_start3A_110, %dma_start3A_111, %dma_start3A_112] : memref<3x256x128xf32, #tpu.memory_space<vmem>> -> memref<1x128x128xf32, #tpu.memory_space<vmem>>
    %dma_start3A_114 = tpu.memref_squeeze %dma_start3A_113 : memref<1x128x128xf32, #tpu.memory_space<vmem>> -> memref<128x128xf32, #tpu.memory_space<vmem>>
    %dma_start3A_115 = arith.constant 768 : i32
    %dma_start3A_116 = tpu.memref_slice %arg5[%dma_start3A_115] : memref<1024xi32, #tpu.memory_space<vmem>> -> memref<128xi32, #tpu.memory_space<vmem>>
    %dma_start3A_117 = arith.constant 0 : i32
    %dma_start3A_118 = arith.constant 0 : i32
    %dma_start3A_119 = tpu.memref_slice %arg2[%dma_start3A_117, %dma_start3A_118] : memref<524288x128xf32, #tpu.memory_space<hbm>> -> memref<524288x128xf32, #tpu.memory_space<hbm>>
    tpu.enqueue_indirect_dma source(%dma_start3A_119 : memref<524288x128xf32, #tpu.memory_space<hbm>>) target(%dma_start3A_114 : memref<128x128xf32, #tpu.memory_space<vmem>>) offsets(%dma_start3A_116 : memref<128xi32, #tpu.memory_space<vmem>>) semaphore(%arg8 : memref<!tpu.dma_semaphore, #tpu.memory_space<semaphore_mem>>)
    %dma_start3A_120 = arith.constant 0 : i32
    %dma_start3A_121 = arith.constant 128 : i32
    %dma_start3A_122 = arith.constant 0 : i32
    %dma_start3A_123 = tpu.memref_slice %arg7[%dma_start3A_120, %dma_start3A_121, %dma_start3A_122] : memref<3x256x128xf32, #tpu.memory_space<vmem>> -> memref<1x128x128xf32, #tpu.memory_space<vmem>>
    %dma_start3A_124 = tpu.memref_squeeze %dma_start3A_123 : memref<1x128x128xf32, #tpu.memory_space<vmem>> -> memref<128x128xf32, #tpu.memory_space<vmem>>
    %dma_start3A_125 = arith.constant 896 : i32
    %dma_start3A_126 = tpu.memref_slice %arg5[%dma_start3A_125] : memref<1024xi32, #tpu.memory_space<vmem>> -> memref<128xi32, #tpu.memory_space<vmem>>
    %dma_start3A_127 = arith.constant 0 : i32
    %dma_start3A_128 = arith.constant 0 : i32
    %dma_start3A_129 = tpu.memref_slice %arg2[%dma_start3A_127, %dma_start3A_128] : memref<524288x128xf32, #tpu.memory_space<hbm>> -> memref<524288x128xf32, #tpu.memory_space<hbm>>
    tpu.enqueue_indirect_dma source(%dma_start3A_129 : memref<524288x128xf32, #tpu.memory_space<hbm>>) target(%dma_start3A_124 : memref<128x128xf32, #tpu.memory_space<vmem>>) offsets(%dma_start3A_126 : memref<128xi32, #tpu.memory_space<vmem>>) semaphore(%arg8 : memref<!tpu.dma_semaphore, #tpu.memory_space<semaphore_mem>>)
    %dma_wait3A_130 = arith.constant 1 : i32
    %dma_wait3A_131 = arith.constant 0 : i32
    %dma_wait3A_132 = arith.constant 0 : i32
    %dma_wait3A_133 = tpu.memref_slice %arg7[%dma_wait3A_130, %dma_wait3A_131, %dma_wait3A_132] : memref<3x256x128xf32, #tpu.memory_space<vmem>> -> memref<1x128x128xf32, #tpu.memory_space<vmem>>
    %dma_wait3A_134 = tpu.memref_squeeze %dma_wait3A_133 : memref<1x128x128xf32, #tpu.memory_space<vmem>> -> memref<128x128xf32, #tpu.memory_space<vmem>>
    %dma_wait3A_135 = arith.constant 256 : i32
    %dma_wait3A_136 = tpu.memref_slice %arg5[%dma_wait3A_135] : memref<1024xi32, #tpu.memory_space<vmem>> -> memref<128xi32, #tpu.memory_space<vmem>>
    %dma_wait3A_137 = arith.constant 0 : i32
    %dma_wait3A_138 = arith.constant 0 : i32
    %dma_wait3A_139 = tpu.memref_slice %arg2[%dma_wait3A_137, %dma_wait3A_138] : memref<524288x128xf32, #tpu.memory_space<hbm>> -> memref<524288x128xf32, #tpu.memory_space<hbm>>
    tpu.wait_indirect_dma semaphore(%arg8 : memref<!tpu.dma_semaphore, #tpu.memory_space<semaphore_mem>>) src(%dma_wait3A_139 : memref<524288x128xf32, #tpu.memory_space<hbm>>) dst(%dma_wait3A_134 : memref<128x128xf32, #tpu.memory_space<vmem>>)
    %dma_wait3A_140 = arith.constant 1 : i32
    %dma_wait3A_141 = arith.constant 128 : i32
    %dma_wait3A_142 = arith.constant 0 : i32
    %dma_wait3A_143 = tpu.memref_slice %arg7[%dma_wait3A_140, %dma_wait3A_141, %dma_wait3A_142] : memref<3x256x128xf32, #tpu.memory_space<vmem>> -> memref<1x128x128xf32, #tpu.memory_space<vmem>>
    %dma_wait3A_144 = tpu.memref_squeeze %dma_wait3A_143 : memref<1x128x128xf32, #tpu.memory_space<vmem>> -> memref<128x128xf32, #tpu.memory_space<vmem>>
    %dma_wait3A_145 = arith.constant 384 : i32
    %dma_wait3A_146 = tpu.memref_slice %arg5[%dma_wait3A_145] : memref<1024xi32, #tpu.memory_space<vmem>> -> memref<128xi32, #tpu.memory_space<vmem>>
    %dma_wait3A_147 = arith.constant 0 : i32
    %dma_wait3A_148 = arith.constant 0 : i32
    %dma_wait3A_149 = tpu.memref_slice %arg2[%dma_wait3A_147, %dma_wait3A_148] : memref<524288x128xf32, #tpu.memory_space<hbm>> -> memref<524288x128xf32, #tpu.memory_space<hbm>>
    tpu.wait_indirect_dma semaphore(%arg8 : memref<!tpu.dma_semaphore, #tpu.memory_space<semaphore_mem>>) src(%dma_wait3A_149 : memref<524288x128xf32, #tpu.memory_space<hbm>>) dst(%dma_wait3A_144 : memref<128x128xf32, #tpu.memory_space<vmem>>)
    %add3A_150 = arith.constant 256 : i32
    %add3A_151 = arith.addi %mul3A_2, %add3A_150 : i32
    %dma_start3A_152 = arith.constant 1 : i32
    %dma_start3A_153 = arith.constant 0 : i32
    %dma_start3A_154 = arith.constant 0 : i32
    %dma_start3A_155 = tpu.memref_slice %arg7[%dma_start3A_152, %dma_start3A_153, %dma_start3A_154] : memref<3x256x128xf32, #tpu.memory_space<vmem>> -> memref<1x256x128xf32, #tpu.memory_space<vmem>>
    %dma_start3A_156 = tpu.memref_squeeze %dma_start3A_155 : memref<1x256x128xf32, #tpu.memory_space<vmem>> -> memref<256x128xf32, #tpu.memory_space<vmem>>
    %dma_start3A_157 = arith.constant 0 : i32
    %dma_start3A_158 = tpu.memref_slice %arg4[%add3A_151, %dma_start3A_157] : memref<32768x256xf32, #tpu.memory_space<hbm>> -> memref<256x128xf32, #tpu.memory_space<hbm>>
    %dma_start3A_159 = arith.constant 0 : i32
    %dma_start3A_160 = tpu.memref_slice %arg4[%add3A_151, %dma_start3A_159] : memref<32768x256xf32, #tpu.memory_space<hbm>> -> memref<256x128xf32, #tpu.memory_space<hbm>>
    %dma_start3A_161 = arith.constant 0 : i32
    %dma_start3A_162 = arith.constant 0 : i32
    %dma_start3A_163 = tpu.memref_slice %arg7[%dma_start3A_152, %dma_start3A_161, %dma_start3A_162] : memref<3x256x128xf32, #tpu.memory_space<vmem>> -> memref<1x256x128xf32, #tpu.memory_space<vmem>>
    %dma_start3A_164 = tpu.memref_squeeze %dma_start3A_163 : memref<1x256x128xf32, #tpu.memory_space<vmem>> -> memref<256x128xf32, #tpu.memory_space<vmem>>
    tpu.enqueue_dma source(%dma_start3A_164 : memref<256x128xf32, #tpu.memory_space<vmem>>) target(%dma_start3A_160 : memref<256x128xf32, #tpu.memory_space<hbm>>) target_semaphore(%arg9 : memref<!tpu.dma_semaphore, #tpu.memory_space<semaphore_mem>>)
    %dma_wait3A_165 = arith.constant 1 : i32
    %dma_wait3A_166 = arith.constant 0 : i32
    %dma_wait3A_167 = arith.constant 0 : i32
    %dma_wait3A_168 = tpu.memref_slice %arg7[%dma_wait3A_165, %dma_wait3A_166, %dma_wait3A_167] : memref<3x256x128xf32, #tpu.memory_space<vmem>> -> memref<1x256x128xf32, #tpu.memory_space<vmem>>
    %dma_wait3A_169 = tpu.memref_squeeze %dma_wait3A_168 : memref<1x256x128xf32, #tpu.memory_space<vmem>> -> memref<256x128xf32, #tpu.memory_space<vmem>>
    %dma_wait3A_170 = arith.constant 0 : i32
    %dma_wait3A_171 = tpu.memref_slice %arg4[%add3A_151, %dma_wait3A_170] : memref<32768x256xf32, #tpu.memory_space<hbm>> -> memref<256x128xf32, #tpu.memory_space<hbm>>
    %dma_wait3A_172 = arith.constant 0 : i32
    %dma_wait3A_173 = tpu.memref_slice %arg4[%add3A_151, %dma_wait3A_172] : memref<32768x256xf32, #tpu.memory_space<hbm>> -> memref<256x128xf32, #tpu.memory_space<hbm>>
    %dma_wait3A_174 = arith.constant 0 : i32
    %dma_wait3A_175 = arith.constant 0 : i32
    %dma_wait3A_176 = tpu.memref_slice %arg7[%dma_wait3A_165, %dma_wait3A_174, %dma_wait3A_175] : memref<3x256x128xf32, #tpu.memory_space<vmem>> -> memref<1x256x128xf32, #tpu.memory_space<vmem>>
    %dma_wait3A_177 = tpu.memref_squeeze %dma_wait3A_176 : memref<1x256x128xf32, #tpu.memory_space<vmem>> -> memref<256x128xf32, #tpu.memory_space<vmem>>
    tpu.wait_dma2 semaphore(%arg9 : memref<!tpu.dma_semaphore, #tpu.memory_space<semaphore_mem>>) src(%dma_wait3A_177 : memref<256x128xf32, #tpu.memory_space<vmem>>) dst(%dma_wait3A_173 : memref<256x128xf32, #tpu.memory_space<hbm>>)
    %dma_start3A_178 = arith.constant 1 : i32
    %dma_start3A_179 = arith.constant 0 : i32
    %dma_start3A_180 = arith.constant 0 : i32
    %dma_start3A_181 = tpu.memref_slice %arg7[%dma_start3A_178, %dma_start3A_179, %dma_start3A_180] : memref<3x256x128xf32, #tpu.memory_space<vmem>> -> memref<1x128x128xf32, #tpu.memory_space<vmem>>
    %dma_start3A_182 = tpu.memref_squeeze %dma_start3A_181 : memref<1x128x128xf32, #tpu.memory_space<vmem>> -> memref<128x128xf32, #tpu.memory_space<vmem>>
    %dma_start3A_183 = arith.constant 0 : i32
    %dma_start3A_184 = tpu.memref_slice %arg6[%dma_start3A_183] : memref<1024xi32, #tpu.memory_space<vmem>> -> memref<128xi32, #tpu.memory_space<vmem>>
    %dma_start3A_185 = arith.constant 0 : i32
    %dma_start3A_186 = arith.constant 0 : i32
    %dma_start3A_187 = tpu.memref_slice %arg2[%dma_start3A_185, %dma_start3A_186] : memref<524288x128xf32, #tpu.memory_space<hbm>> -> memref<524288x128xf32, #tpu.memory_space<hbm>>
    tpu.enqueue_indirect_dma source(%dma_start3A_187 : memref<524288x128xf32, #tpu.memory_space<hbm>>) target(%dma_start3A_182 : memref<128x128xf32, #tpu.memory_space<vmem>>) offsets(%dma_start3A_184 : memref<128xi32, #tpu.memory_space<vmem>>) semaphore(%arg8 : memref<!tpu.dma_semaphore, #tpu.memory_space<semaphore_mem>>)
    %dma_start3A_188 = arith.constant 1 : i32
    %dma_start3A_189 = arith.constant 128 : i32
    %dma_start3A_190 = arith.constant 0 : i32
    %dma_start3A_191 = tpu.memref_slice %arg7[%dma_start3A_188, %dma_start3A_189, %dma_start3A_190] : memref<3x256x128xf32, #tpu.memory_space<vmem>> -> memref<1x128x128xf32, #tpu.memory_space<vmem>>
    %dma_start3A_192 = tpu.memref_squeeze %dma_start3A_191 : memref<1x128x128xf32, #tpu.memory_space<vmem>> -> memref<128x128xf32, #tpu.memory_space<vmem>>
    %dma_start3A_193 = arith.constant 128 : i32
    %dma_start3A_194 = tpu.memref_slice %arg6[%dma_start3A_193] : memref<1024xi32, #tpu.memory_space<vmem>> -> memref<128xi32, #tpu.memory_space<vmem>>
    %dma_start3A_195 = arith.constant 0 : i32
    %dma_start3A_196 = arith.constant 0 : i32
    %dma_start3A_197 = tpu.memref_slice %arg2[%dma_start3A_195, %dma_start3A_196] : memref<524288x128xf32, #tpu.memory_space<hbm>> -> memref<524288x128xf32, #tpu.memory_space<hbm>>
    tpu.enqueue_indirect_dma source(%dma_start3A_197 : memref<524288x128xf32, #tpu.memory_space<hbm>>) target(%dma_start3A_192 : memref<128x128xf32, #tpu.memory_space<vmem>>) offsets(%dma_start3A_194 : memref<128xi32, #tpu.memory_space<vmem>>) semaphore(%arg8 : memref<!tpu.dma_semaphore, #tpu.memory_space<semaphore_mem>>)
    %dma_wait3A_198 = arith.constant 2 : i32
    %dma_wait3A_199 = arith.constant 0 : i32
    %dma_wait3A_200 = arith.constant 0 : i32
    %dma_wait3A_201 = tpu.memref_slice %arg7[%dma_wait3A_198, %dma_wait3A_199, %dma_wait3A_200] : memref<3x256x128xf32, #tpu.memory_space<vmem>> -> memref<1x128x128xf32, #tpu.memory_space<vmem>>
    %dma_wait3A_202 = tpu.memref_squeeze %dma_wait3A_201 : memref<1x128x128xf32, #tpu.memory_space<vmem>> -> memref<128x128xf32, #tpu.memory_space<vmem>>
    %dma_wait3A_203 = arith.constant 512 : i32
    %dma_wait3A_204 = tpu.memref_slice %arg5[%dma_wait3A_203] : memref<1024xi32, #tpu.memory_space<vmem>> -> memref<128xi32, #tpu.memory_space<vmem>>
    %dma_wait3A_205 = arith.constant 0 : i32
    %dma_wait3A_206 = arith.constant 0 : i32
    %dma_wait3A_207 = tpu.memref_slice %arg2[%dma_wait3A_205, %dma_wait3A_206] : memref<524288x128xf32, #tpu.memory_space<hbm>> -> memref<524288x128xf32, #tpu.memory_space<hbm>>
    tpu.wait_indirect_dma semaphore(%arg8 : memref<!tpu.dma_semaphore, #tpu.memory_space<semaphore_mem>>) src(%dma_wait3A_207 : memref<524288x128xf32, #tpu.memory_space<hbm>>) dst(%dma_wait3A_202 : memref<128x128xf32, #tpu.memory_space<vmem>>)
    %dma_wait3A_208 = arith.constant 2 : i32
    %dma_wait3A_209 = arith.constant 128 : i32
    %dma_wait3A_210 = arith.constant 0 : i32
    %dma_wait3A_211 = tpu.memref_slice %arg7[%dma_wait3A_208, %dma_wait3A_209, %dma_wait3A_210] : memref<3x256x128xf32, #tpu.memory_space<vmem>> -> memref<1x128x128xf32, #tpu.memory_space<vmem>>
    %dma_wait3A_212 = tpu.memref_squeeze %dma_wait3A_211 : memref<1x128x128xf32, #tpu.memory_space<vmem>> -> memref<128x128xf32, #tpu.memory_space<vmem>>
    %dma_wait3A_213 = arith.constant 640 : i32
    %dma_wait3A_214 = tpu.memref_slice %arg5[%dma_wait3A_213] : memref<1024xi32, #tpu.memory_space<vmem>> -> memref<128xi32, #tpu.memory_space<vmem>>
    %dma_wait3A_215 = arith.constant 0 : i32
    %dma_wait3A_216 = arith.constant 0 : i32
    %dma_wait3A_217 = tpu.memref_slice %arg2[%dma_wait3A_215, %dma_wait3A_216] : memref<524288x128xf32, #tpu.memory_space<hbm>> -> memref<524288x128xf32, #tpu.memory_space<hbm>>
    tpu.wait_indirect_dma semaphore(%arg8 : memref<!tpu.dma_semaphore, #tpu.memory_space<semaphore_mem>>) src(%dma_wait3A_217 : memref<524288x128xf32, #tpu.memory_space<hbm>>) dst(%dma_wait3A_212 : memref<128x128xf32, #tpu.memory_space<vmem>>)
    %add3A_218 = arith.constant 512 : i32
    %add3A_219 = arith.addi %mul3A_2, %add3A_218 : i32
    %dma_start3A_220 = arith.constant 2 : i32
    %dma_start3A_221 = arith.constant 0 : i32
    %dma_start3A_222 = arith.constant 0 : i32
    %dma_start3A_223 = tpu.memref_slice %arg7[%dma_start3A_220, %dma_start3A_221, %dma_start3A_222] : memref<3x256x128xf32, #tpu.memory_space<vmem>> -> memref<1x256x128xf32, #tpu.memory_space<vmem>>
    %dma_start3A_224 = tpu.memref_squeeze %dma_start3A_223 : memref<1x256x128xf32, #tpu.memory_space<vmem>> -> memref<256x128xf32, #tpu.memory_space<vmem>>
    %dma_start3A_225 = arith.constant 0 : i32
    %dma_start3A_226 = tpu.memref_slice %arg4[%add3A_219, %dma_start3A_225] : memref<32768x256xf32, #tpu.memory_space<hbm>> -> memref<256x128xf32, #tpu.memory_space<hbm>>
    %dma_start3A_227 = arith.constant 0 : i32
    %dma_start3A_228 = tpu.memref_slice %arg4[%add3A_219, %dma_start3A_227] : memref<32768x256xf32, #tpu.memory_space<hbm>> -> memref<256x128xf32, #tpu.memory_space<hbm>>
    %dma_start3A_229 = arith.constant 0 : i32
    %dma_start3A_230 = arith.constant 0 : i32
    %dma_start3A_231 = tpu.memref_slice %arg7[%dma_start3A_220, %dma_start3A_229, %dma_start3A_230] : memref<3x256x128xf32, #tpu.memory_space<vmem>> -> memref<1x256x128xf32, #tpu.memory_space<vmem>>
    %dma_start3A_232 = tpu.memref_squeeze %dma_start3A_231 : memref<1x256x128xf32, #tpu.memory_space<vmem>> -> memref<256x128xf32, #tpu.memory_space<vmem>>
    tpu.enqueue_dma source(%dma_start3A_232 : memref<256x128xf32, #tpu.memory_space<vmem>>) target(%dma_start3A_228 : memref<256x128xf32, #tpu.memory_space<hbm>>) target_semaphore(%arg9 : memref<!tpu.dma_semaphore, #tpu.memory_space<semaphore_mem>>)
    %dma_wait3A_233 = arith.constant 2 : i32
    %dma_wait3A_234 = arith.constant 0 : i32
    %dma_wait3A_235 = arith.constant 0 : i32
    %dma_wait3A_236 = tpu.memref_slice %arg7[%dma_wait3A_233, %dma_wait3A_234, %dma_wait3A_235] : memref<3x256x128xf32, #tpu.memory_space<vmem>> -> memref<1x256x128xf32, #tpu.memory_space<vmem>>
    %dma_wait3A_237 = tpu.memref_squeeze %dma_wait3A_236 : memref<1x256x128xf32, #tpu.memory_space<vmem>> -> memref<256x128xf32, #tpu.memory_space<vmem>>
    %dma_wait3A_238 = arith.constant 0 : i32
    %dma_wait3A_239 = tpu.memref_slice %arg4[%add3A_219, %dma_wait3A_238] : memref<32768x256xf32, #tpu.memory_space<hbm>> -> memref<256x128xf32, #tpu.memory_space<hbm>>
    %dma_wait3A_240 = arith.constant 0 : i32
    %dma_wait3A_241 = tpu.memref_slice %arg4[%add3A_219, %dma_wait3A_240] : memref<32768x256xf32, #tpu.memory_space<hbm>> -> memref<256x128xf32, #tpu.memory_space<hbm>>
    %dma_wait3A_242 = arith.constant 0 : i32
    %dma_wait3A_243 = arith.constant 0 : i32
    %dma_wait3A_244 = tpu.memref_slice %arg7[%dma_wait3A_233, %dma_wait3A_242, %dma_wait3A_243] : memref<3x256x128xf32, #tpu.memory_space<vmem>> -> memref<1x256x128xf32, #tpu.memory_space<vmem>>
    %dma_wait3A_245 = tpu.memref_squeeze %dma_wait3A_244 : memref<1x256x128xf32, #tpu.memory_space<vmem>> -> memref<256x128xf32, #tpu.memory_space<vmem>>
    tpu.wait_dma2 semaphore(%arg9 : memref<!tpu.dma_semaphore, #tpu.memory_space<semaphore_mem>>) src(%dma_wait3A_245 : memref<256x128xf32, #tpu.memory_space<vmem>>) dst(%dma_wait3A_241 : memref<256x128xf32, #tpu.memory_space<hbm>>)
    %dma_start3A_246 = arith.constant 2 : i32
    %dma_start3A_247 = arith.constant 0 : i32
    %dma_start3A_248 = arith.constant 0 : i32
    %dma_start3A_249 = tpu.memref_slice %arg7[%dma_start3A_246, %dma_start3A_247, %dma_start3A_248] : memref<3x256x128xf32, #tpu.memory_space<vmem>> -> memref<1x128x128xf32, #tpu.memory_space<vmem>>
    %dma_start3A_250 = tpu.memref_squeeze %dma_start3A_249 : memref<1x128x128xf32, #tpu.memory_space<vmem>> -> memref<128x128xf32, #tpu.memory_space<vmem>>
    %dma_start3A_251 = arith.constant 256 : i32
    %dma_start3A_252 = tpu.memref_slice %arg6[%dma_start3A_251] : memref<1024xi32, #tpu.memory_space<vmem>> -> memref<128xi32, #tpu.memory_space<vmem>>
    %dma_start3A_253 = arith.constant 0 : i32
    %dma_start3A_254 = arith.constant 0 : i32
    %dma_start3A_255 = tpu.memref_slice %arg2[%dma_start3A_253, %dma_start3A_254] : memref<524288x128xf32, #tpu.memory_space<hbm>> -> memref<524288x128xf32, #tpu.memory_space<hbm>>
    tpu.enqueue_indirect_dma source(%dma_start3A_255 : memref<524288x128xf32, #tpu.memory_space<hbm>>) target(%dma_start3A_250 : memref<128x128xf32, #tpu.memory_space<vmem>>) offsets(%dma_start3A_252 : memref<128xi32, #tpu.memory_space<vmem>>) semaphore(%arg8 : memref<!tpu.dma_semaphore, #tpu.memory_space<semaphore_mem>>)
    %dma_start3A_256 = arith.constant 2 : i32
    %dma_start3A_257 = arith.constant 128 : i32
    %dma_start3A_258 = arith.constant 0 : i32
    %dma_start3A_259 = tpu.memref_slice %arg7[%dma_start3A_256, %dma_start3A_257, %dma_start3A_258] : memref<3x256x128xf32, #tpu.memory_space<vmem>> -> memref<1x128x128xf32, #tpu.memory_space<vmem>>
    %dma_start3A_260 = tpu.memref_squeeze %dma_start3A_259 : memref<1x128x128xf32, #tpu.memory_space<vmem>> -> memref<128x128xf32, #tpu.memory_space<vmem>>
    %dma_start3A_261 = arith.constant 384 : i32
    %dma_start3A_262 = tpu.memref_slice %arg6[%dma_start3A_261] : memref<1024xi32, #tpu.memory_space<vmem>> -> memref<128xi32, #tpu.memory_space<vmem>>
    %dma_start3A_263 = arith.constant 0 : i32
    %dma_start3A_264 = arith.constant 0 : i32
    %dma_start3A_265 = tpu.memref_slice %arg2[%dma_start3A_263, %dma_start3A_264] : memref<524288x128xf32, #tpu.memory_space<hbm>> -> memref<524288x128xf32, #tpu.memory_space<hbm>>
    tpu.enqueue_indirect_dma source(%dma_start3A_265 : memref<524288x128xf32, #tpu.memory_space<hbm>>) target(%dma_start3A_260 : memref<128x128xf32, #tpu.memory_space<vmem>>) offsets(%dma_start3A_262 : memref<128xi32, #tpu.memory_space<vmem>>) semaphore(%arg8 : memref<!tpu.dma_semaphore, #tpu.memory_space<semaphore_mem>>)
    %dma_wait3A_266 = arith.constant 0 : i32
    %dma_wait3A_267 = arith.constant 0 : i32
    %dma_wait3A_268 = arith.constant 0 : i32
    %dma_wait3A_269 = tpu.memref_slice %arg7[%dma_wait3A_266, %dma_wait3A_267, %dma_wait3A_268] : memref<3x256x128xf32, #tpu.memory_space<vmem>> -> memref<1x128x128xf32, #tpu.memory_space<vmem>>
    %dma_wait3A_270 = tpu.memref_squeeze %dma_wait3A_269 : memref<1x128x128xf32, #tpu.memory_space<vmem>> -> memref<128x128xf32, #tpu.memory_space<vmem>>
    %dma_wait3A_271 = arith.constant 768 : i32
    %dma_wait3A_272 = tpu.memref_slice %arg5[%dma_wait3A_271] : memref<1024xi32, #tpu.memory_space<vmem>> -> memref<128xi32, #tpu.memory_space<vmem>>
    %dma_wait3A_273 = arith.constant 0 : i32
    %dma_wait3A_274 = arith.constant 0 : i32
    %dma_wait3A_275 = tpu.memref_slice %arg2[%dma_wait3A_273, %dma_wait3A_274] : memref<524288x128xf32, #tpu.memory_space<hbm>> -> memref<524288x128xf32, #tpu.memory_space<hbm>>
    tpu.wait_indirect_dma semaphore(%arg8 : memref<!tpu.dma_semaphore, #tpu.memory_space<semaphore_mem>>) src(%dma_wait3A_275 : memref<524288x128xf32, #tpu.memory_space<hbm>>) dst(%dma_wait3A_270 : memref<128x128xf32, #tpu.memory_space<vmem>>)
    %dma_wait3A_276 = arith.constant 0 : i32
    %dma_wait3A_277 = arith.constant 128 : i32
    %dma_wait3A_278 = arith.constant 0 : i32
    %dma_wait3A_279 = tpu.memref_slice %arg7[%dma_wait3A_276, %dma_wait3A_277, %dma_wait3A_278] : memref<3x256x128xf32, #tpu.memory_space<vmem>> -> memref<1x128x128xf32, #tpu.memory_space<vmem>>
    %dma_wait3A_280 = tpu.memref_squeeze %dma_wait3A_279 : memref<1x128x128xf32, #tpu.memory_space<vmem>> -> memref<128x128xf32, #tpu.memory_space<vmem>>
    %dma_wait3A_281 = arith.constant 896 : i32
    %dma_wait3A_282 = tpu.memref_slice %arg5[%dma_wait3A_281] : memref<1024xi32, #tpu.memory_space<vmem>> -> memref<128xi32, #tpu.memory_space<vmem>>
    %dma_wait3A_283 = arith.constant 0 : i32
    %dma_wait3A_284 = arith.constant 0 : i32
    %dma_wait3A_285 = tpu.memref_slice %arg2[%dma_wait3A_283, %dma_wait3A_284] : memref<524288x128xf32, #tpu.memory_space<hbm>> -> memref<524288x128xf32, #tpu.memory_space<hbm>>
    tpu.wait_indirect_dma semaphore(%arg8 : memref<!tpu.dma_semaphore, #tpu.memory_space<semaphore_mem>>) src(%dma_wait3A_285 : memref<524288x128xf32, #tpu.memory_space<hbm>>) dst(%dma_wait3A_280 : memref<128x128xf32, #tpu.memory_space<vmem>>)
    %add3A_286 = arith.constant 768 : i32
    %add3A_287 = arith.addi %mul3A_2, %add3A_286 : i32
    %dma_start3A_288 = arith.constant 0 : i32
    %dma_start3A_289 = arith.constant 0 : i32
    %dma_start3A_290 = arith.constant 0 : i32
    %dma_start3A_291 = tpu.memref_slice %arg7[%dma_start3A_288, %dma_start3A_289, %dma_start3A_290] : memref<3x256x128xf32, #tpu.memory_space<vmem>> -> memref<1x256x128xf32, #tpu.memory_space<vmem>>
    %dma_start3A_292 = tpu.memref_squeeze %dma_start3A_291 : memref<1x256x128xf32, #tpu.memory_space<vmem>> -> memref<256x128xf32, #tpu.memory_space<vmem>>
    %dma_start3A_293 = arith.constant 0 : i32
    %dma_start3A_294 = tpu.memref_slice %arg4[%add3A_287, %dma_start3A_293] : memref<32768x256xf32, #tpu.memory_space<hbm>> -> memref<256x128xf32, #tpu.memory_space<hbm>>
    %dma_start3A_295 = arith.constant 0 : i32
    %dma_start3A_296 = tpu.memref_slice %arg4[%add3A_287, %dma_start3A_295] : memref<32768x256xf32, #tpu.memory_space<hbm>> -> memref<256x128xf32, #tpu.memory_space<hbm>>
    %dma_start3A_297 = arith.constant 0 : i32
    %dma_start3A_298 = arith.constant 0 : i32
    %dma_start3A_299 = tpu.memref_slice %arg7[%dma_start3A_288, %dma_start3A_297, %dma_start3A_298] : memref<3x256x128xf32, #tpu.memory_space<vmem>> -> memref<1x256x128xf32, #tpu.memory_space<vmem>>
    %dma_start3A_300 = tpu.memref_squeeze %dma_start3A_299 : memref<1x256x128xf32, #tpu.memory_space<vmem>> -> memref<256x128xf32, #tpu.memory_space<vmem>>
    tpu.enqueue_dma source(%dma_start3A_300 : memref<256x128xf32, #tpu.memory_space<vmem>>) target(%dma_start3A_296 : memref<256x128xf32, #tpu.memory_space<hbm>>) target_semaphore(%arg9 : memref<!tpu.dma_semaphore, #tpu.memory_space<semaphore_mem>>)
    %dma_wait3A_301 = arith.constant 0 : i32
    %dma_wait3A_302 = arith.constant 0 : i32
    %dma_wait3A_303 = arith.constant 0 : i32
    %dma_wait3A_304 = tpu.memref_slice %arg7[%dma_wait3A_301, %dma_wait3A_302, %dma_wait3A_303] : memref<3x256x128xf32, #tpu.memory_space<vmem>> -> memref<1x256x128xf32, #tpu.memory_space<vmem>>
    %dma_wait3A_305 = tpu.memref_squeeze %dma_wait3A_304 : memref<1x256x128xf32, #tpu.memory_space<vmem>> -> memref<256x128xf32, #tpu.memory_space<vmem>>
    %dma_wait3A_306 = arith.constant 0 : i32
    %dma_wait3A_307 = tpu.memref_slice %arg4[%add3A_287, %dma_wait3A_306] : memref<32768x256xf32, #tpu.memory_space<hbm>> -> memref<256x128xf32, #tpu.memory_space<hbm>>
    %dma_wait3A_308 = arith.constant 0 : i32
    %dma_wait3A_309 = tpu.memref_slice %arg4[%add3A_287, %dma_wait3A_308] : memref<32768x256xf32, #tpu.memory_space<hbm>> -> memref<256x128xf32, #tpu.memory_space<hbm>>
    %dma_wait3A_310 = arith.constant 0 : i32
    %dma_wait3A_311 = arith.constant 0 : i32
    %dma_wait3A_312 = tpu.memref_slice %arg7[%dma_wait3A_301, %dma_wait3A_310, %dma_wait3A_311] : memref<3x256x128xf32, #tpu.memory_space<vmem>> -> memref<1x256x128xf32, #tpu.memory_space<vmem>>
    %dma_wait3A_313 = tpu.memref_squeeze %dma_wait3A_312 : memref<1x256x128xf32, #tpu.memory_space<vmem>> -> memref<256x128xf32, #tpu.memory_space<vmem>>
    tpu.wait_dma2 semaphore(%arg9 : memref<!tpu.dma_semaphore, #tpu.memory_space<semaphore_mem>>) src(%dma_wait3A_313 : memref<256x128xf32, #tpu.memory_space<vmem>>) dst(%dma_wait3A_309 : memref<256x128xf32, #tpu.memory_space<hbm>>)
    %dma_start3A_314 = arith.constant 0 : i32
    %dma_start3A_315 = arith.constant 0 : i32
    %dma_start3A_316 = arith.constant 0 : i32
    %dma_start3A_317 = tpu.memref_slice %arg7[%dma_start3A_314, %dma_start3A_315, %dma_start3A_316] : memref<3x256x128xf32, #tpu.memory_space<vmem>> -> memref<1x128x128xf32, #tpu.memory_space<vmem>>
    %dma_start3A_318 = tpu.memref_squeeze %dma_start3A_317 : memref<1x128x128xf32, #tpu.memory_space<vmem>> -> memref<128x128xf32, #tpu.memory_space<vmem>>
    %dma_start3A_319 = arith.constant 512 : i32
    %dma_start3A_320 = tpu.memref_slice %arg6[%dma_start3A_319] : memref<1024xi32, #tpu.memory_space<vmem>> -> memref<128xi32, #tpu.memory_space<vmem>>
    %dma_start3A_321 = arith.constant 0 : i32
    %dma_start3A_322 = arith.constant 0 : i32
    %dma_start3A_323 = tpu.memref_slice %arg2[%dma_start3A_321, %dma_start3A_322] : memref<524288x128xf32, #tpu.memory_space<hbm>> -> memref<524288x128xf32, #tpu.memory_space<hbm>>
    tpu.enqueue_indirect_dma source(%dma_start3A_323 : memref<524288x128xf32, #tpu.memory_space<hbm>>) target(%dma_start3A_318 : memref<128x128xf32, #tpu.memory_space<vmem>>) offsets(%dma_start3A_320 : memref<128xi32, #tpu.memory_space<vmem>>) semaphore(%arg8 : memref<!tpu.dma_semaphore, #tpu.memory_space<semaphore_mem>>)
    %dma_start3A_324 = arith.constant 0 : i32
    %dma_start3A_325 = arith.constant 128 : i32
    %dma_start3A_326 = arith.constant 0 : i32
    %dma_start3A_327 = tpu.memref_slice %arg7[%dma_start3A_324, %dma_start3A_325, %dma_start3A_326] : memref<3x256x128xf32, #tpu.memory_space<vmem>> -> memref<1x128x128xf32, #tpu.memory_space<vmem>>
    %dma_start3A_328 = tpu.memref_squeeze %dma_start3A_327 : memref<1x128x128xf32, #tpu.memory_space<vmem>> -> memref<128x128xf32, #tpu.memory_space<vmem>>
    %dma_start3A_329 = arith.constant 640 : i32
    %dma_start3A_330 = tpu.memref_slice %arg6[%dma_start3A_329] : memref<1024xi32, #tpu.memory_space<vmem>> -> memref<128xi32, #tpu.memory_space<vmem>>
    %dma_start3A_331 = arith.constant 0 : i32
    %dma_start3A_332 = arith.constant 0 : i32
    %dma_start3A_333 = tpu.memref_slice %arg2[%dma_start3A_331, %dma_start3A_332] : memref<524288x128xf32, #tpu.memory_space<hbm>> -> memref<524288x128xf32, #tpu.memory_space<hbm>>
    tpu.enqueue_indirect_dma source(%dma_start3A_333 : memref<524288x128xf32, #tpu.memory_space<hbm>>) target(%dma_start3A_328 : memref<128x128xf32, #tpu.memory_space<vmem>>) offsets(%dma_start3A_330 : memref<128xi32, #tpu.memory_space<vmem>>) semaphore(%arg8 : memref<!tpu.dma_semaphore, #tpu.memory_space<semaphore_mem>>)
    %dma_wait3A_334 = arith.constant 1 : i32
    %dma_wait3A_335 = arith.constant 0 : i32
    %dma_wait3A_336 = arith.constant 0 : i32
    %dma_wait3A_337 = tpu.memref_slice %arg7[%dma_wait3A_334, %dma_wait3A_335, %dma_wait3A_336] : memref<3x256x128xf32, #tpu.memory_space<vmem>> -> memref<1x128x128xf32, #tpu.memory_space<vmem>>
    %dma_wait3A_338 = tpu.memref_squeeze %dma_wait3A_337 : memref<1x128x128xf32, #tpu.memory_space<vmem>> -> memref<128x128xf32, #tpu.memory_space<vmem>>
    %dma_wait3A_339 = arith.constant 0 : i32
    %dma_wait3A_340 = tpu.memref_slice %arg6[%dma_wait3A_339] : memref<1024xi32, #tpu.memory_space<vmem>> -> memref<128xi32, #tpu.memory_space<vmem>>
    %dma_wait3A_341 = arith.constant 0 : i32
    %dma_wait3A_342 = arith.constant 0 : i32
    %dma_wait3A_343 = tpu.memref_slice %arg2[%dma_wait3A_341, %dma_wait3A_342] : memref<524288x128xf32, #tpu.memory_space<hbm>> -> memref<524288x128xf32, #tpu.memory_space<hbm>>
    tpu.wait_indirect_dma semaphore(%arg8 : memref<!tpu.dma_semaphore, #tpu.memory_space<semaphore_mem>>) src(%dma_wait3A_343 : memref<524288x128xf32, #tpu.memory_space<hbm>>) dst(%dma_wait3A_338 : memref<128x128xf32, #tpu.memory_space<vmem>>)
    %dma_wait3A_344 = arith.constant 1 : i32
    %dma_wait3A_345 = arith.constant 128 : i32
    %dma_wait3A_346 = arith.constant 0 : i32
    %dma_wait3A_347 = tpu.memref_slice %arg7[%dma_wait3A_344, %dma_wait3A_345, %dma_wait3A_346] : memref<3x256x128xf32, #tpu.memory_space<vmem>> -> memref<1x128x128xf32, #tpu.memory_space<vmem>>
    %dma_wait3A_348 = tpu.memref_squeeze %dma_wait3A_347 : memref<1x128x128xf32, #tpu.memory_space<vmem>> -> memref<128x128xf32, #tpu.memory_space<vmem>>
    %dma_wait3A_349 = arith.constant 128 : i32
    %dma_wait3A_350 = tpu.memref_slice %arg6[%dma_wait3A_349] : memref<1024xi32, #tpu.memory_space<vmem>> -> memref<128xi32, #tpu.memory_space<vmem>>
    %dma_wait3A_351 = arith.constant 0 : i32
    %dma_wait3A_352 = arith.constant 0 : i32
    %dma_wait3A_353 = tpu.memref_slice %arg2[%dma_wait3A_351, %dma_wait3A_352] : memref<524288x128xf32, #tpu.memory_space<hbm>> -> memref<524288x128xf32, #tpu.memory_space<hbm>>
    tpu.wait_indirect_dma semaphore(%arg8 : memref<!tpu.dma_semaphore, #tpu.memory_space<semaphore_mem>>) src(%dma_wait3A_353 : memref<524288x128xf32, #tpu.memory_space<hbm>>) dst(%dma_wait3A_348 : memref<128x128xf32, #tpu.memory_space<vmem>>)
    %add3A_354 = arith.constant 0 : i32
    %add3A_355 = arith.addi %mul3A_2, %add3A_354 : i32
    %dma_start3A_356 = arith.constant 1 : i32
    %dma_start3A_357 = arith.constant 0 : i32
    %dma_start3A_358 = arith.constant 0 : i32
    %dma_start3A_359 = tpu.memref_slice %arg7[%dma_start3A_356, %dma_start3A_357, %dma_start3A_358] : memref<3x256x128xf32, #tpu.memory_space<vmem>> -> memref<1x256x128xf32, #tpu.memory_space<vmem>>
    %dma_start3A_360 = tpu.memref_squeeze %dma_start3A_359 : memref<1x256x128xf32, #tpu.memory_space<vmem>> -> memref<256x128xf32, #tpu.memory_space<vmem>>
    %dma_start3A_361 = arith.constant 128 : i32
    %dma_start3A_362 = tpu.memref_slice %arg4[%add3A_355, %dma_start3A_361] : memref<32768x256xf32, #tpu.memory_space<hbm>> -> memref<256x128xf32, #tpu.memory_space<hbm>>
    %dma_start3A_363 = arith.constant 128 : i32
    %dma_start3A_364 = tpu.memref_slice %arg4[%add3A_355, %dma_start3A_363] : memref<32768x256xf32, #tpu.memory_space<hbm>> -> memref<256x128xf32, #tpu.memory_space<hbm>>
    %dma_start3A_365 = arith.constant 0 : i32
    %dma_start3A_366 = arith.constant 0 : i32
    %dma_start3A_367 = tpu.memref_slice %arg7[%dma_start3A_356, %dma_start3A_365, %dma_start3A_366] : memref<3x256x128xf32, #tpu.memory_space<vmem>> -> memref<1x256x128xf32, #tpu.memory_space<vmem>>
    %dma_start3A_368 = tpu.memref_squeeze %dma_start3A_367 : memref<1x256x128xf32, #tpu.memory_space<vmem>> -> memref<256x128xf32, #tpu.memory_space<vmem>>
    tpu.enqueue_dma source(%dma_start3A_368 : memref<256x128xf32, #tpu.memory_space<vmem>>) target(%dma_start3A_364 : memref<256x128xf32, #tpu.memory_space<hbm>>) target_semaphore(%arg9 : memref<!tpu.dma_semaphore, #tpu.memory_space<semaphore_mem>>)
    %dma_wait3A_369 = arith.constant 1 : i32
    %dma_wait3A_370 = arith.constant 0 : i32
    %dma_wait3A_371 = arith.constant 0 : i32
    %dma_wait3A_372 = tpu.memref_slice %arg7[%dma_wait3A_369, %dma_wait3A_370, %dma_wait3A_371] : memref<3x256x128xf32, #tpu.memory_space<vmem>> -> memref<1x256x128xf32, #tpu.memory_space<vmem>>
    %dma_wait3A_373 = tpu.memref_squeeze %dma_wait3A_372 : memref<1x256x128xf32, #tpu.memory_space<vmem>> -> memref<256x128xf32, #tpu.memory_space<vmem>>
    %dma_wait3A_374 = arith.constant 128 : i32
    %dma_wait3A_375 = tpu.memref_slice %arg4[%add3A_355, %dma_wait3A_374] : memref<32768x256xf32, #tpu.memory_space<hbm>> -> memref<256x128xf32, #tpu.memory_space<hbm>>
    %dma_wait3A_376 = arith.constant 128 : i32
    %dma_wait3A_377 = tpu.memref_slice %arg4[%add3A_355, %dma_wait3A_376] : memref<32768x256xf32, #tpu.memory_space<hbm>> -> memref<256x128xf32, #tpu.memory_space<hbm>>
    %dma_wait3A_378 = arith.constant 0 : i32
    %dma_wait3A_379 = arith.constant 0 : i32
    %dma_wait3A_380 = tpu.memref_slice %arg7[%dma_wait3A_369, %dma_wait3A_378, %dma_wait3A_379] : memref<3x256x128xf32, #tpu.memory_space<vmem>> -> memref<1x256x128xf32, #tpu.memory_space<vmem>>
    %dma_wait3A_381 = tpu.memref_squeeze %dma_wait3A_380 : memref<1x256x128xf32, #tpu.memory_space<vmem>> -> memref<256x128xf32, #tpu.memory_space<vmem>>
    tpu.wait_dma2 semaphore(%arg9 : memref<!tpu.dma_semaphore, #tpu.memory_space<semaphore_mem>>) src(%dma_wait3A_381 : memref<256x128xf32, #tpu.memory_space<vmem>>) dst(%dma_wait3A_377 : memref<256x128xf32, #tpu.memory_space<hbm>>)
    %dma_start3A_382 = arith.constant 1 : i32
    %dma_start3A_383 = arith.constant 0 : i32
    %dma_start3A_384 = arith.constant 0 : i32
    %dma_start3A_385 = tpu.memref_slice %arg7[%dma_start3A_382, %dma_start3A_383, %dma_start3A_384] : memref<3x256x128xf32, #tpu.memory_space<vmem>> -> memref<1x128x128xf32, #tpu.memory_space<vmem>>
    %dma_start3A_386 = tpu.memref_squeeze %dma_start3A_385 : memref<1x128x128xf32, #tpu.memory_space<vmem>> -> memref<128x128xf32, #tpu.memory_space<vmem>>
    %dma_start3A_387 = arith.constant 768 : i32
    %dma_start3A_388 = tpu.memref_slice %arg6[%dma_start3A_387] : memref<1024xi32, #tpu.memory_space<vmem>> -> memref<128xi32, #tpu.memory_space<vmem>>
    %dma_start3A_389 = arith.constant 0 : i32
    %dma_start3A_390 = arith.constant 0 : i32
    %dma_start3A_391 = tpu.memref_slice %arg2[%dma_start3A_389, %dma_start3A_390] : memref<524288x128xf32, #tpu.memory_space<hbm>> -> memref<524288x128xf32, #tpu.memory_space<hbm>>
    tpu.enqueue_indirect_dma source(%dma_start3A_391 : memref<524288x128xf32, #tpu.memory_space<hbm>>) target(%dma_start3A_386 : memref<128x128xf32, #tpu.memory_space<vmem>>) offsets(%dma_start3A_388 : memref<128xi32, #tpu.memory_space<vmem>>) semaphore(%arg8 : memref<!tpu.dma_semaphore, #tpu.memory_space<semaphore_mem>>)
    %dma_start3A_392 = arith.constant 1 : i32
    %dma_start3A_393 = arith.constant 128 : i32
    %dma_start3A_394 = arith.constant 0 : i32
    %dma_start3A_395 = tpu.memref_slice %arg7[%dma_start3A_392, %dma_start3A_393, %dma_start3A_394] : memref<3x256x128xf32, #tpu.memory_space<vmem>> -> memref<1x128x128xf32, #tpu.memory_space<vmem>>
    %dma_start3A_396 = tpu.memref_squeeze %dma_start3A_395 : memref<1x128x128xf32, #tpu.memory_space<vmem>> -> memref<128x128xf32, #tpu.memory_space<vmem>>
    %dma_start3A_397 = arith.constant 896 : i32
    %dma_start3A_398 = tpu.memref_slice %arg6[%dma_start3A_397] : memref<1024xi32, #tpu.memory_space<vmem>> -> memref<128xi32, #tpu.memory_space<vmem>>
    %dma_start3A_399 = arith.constant 0 : i32
    %dma_start3A_400 = arith.constant 0 : i32
    %dma_start3A_401 = tpu.memref_slice %arg2[%dma_start3A_399, %dma_start3A_400] : memref<524288x128xf32, #tpu.memory_space<hbm>> -> memref<524288x128xf32, #tpu.memory_space<hbm>>
    tpu.enqueue_indirect_dma source(%dma_start3A_401 : memref<524288x128xf32, #tpu.memory_space<hbm>>) target(%dma_start3A_396 : memref<128x128xf32, #tpu.memory_space<vmem>>) offsets(%dma_start3A_398 : memref<128xi32, #tpu.memory_space<vmem>>) semaphore(%arg8 : memref<!tpu.dma_semaphore, #tpu.memory_space<semaphore_mem>>)
    %dma_wait3A_402 = arith.constant 2 : i32
    %dma_wait3A_403 = arith.constant 0 : i32
    %dma_wait3A_404 = arith.constant 0 : i32
    %dma_wait3A_405 = tpu.memref_slice %arg7[%dma_wait3A_402, %dma_wait3A_403, %dma_wait3A_404] : memref<3x256x128xf32, #tpu.memory_space<vmem>> -> memref<1x128x128xf32, #tpu.memory_space<vmem>>
    %dma_wait3A_406 = tpu.memref_squeeze %dma_wait3A_405 : memref<1x128x128xf32, #tpu.memory_space<vmem>> -> memref<128x128xf32, #tpu.memory_space<vmem>>
    %dma_wait3A_407 = arith.constant 256 : i32
    %dma_wait3A_408 = tpu.memref_slice %arg6[%dma_wait3A_407] : memref<1024xi32, #tpu.memory_space<vmem>> -> memref<128xi32, #tpu.memory_space<vmem>>
    %dma_wait3A_409 = arith.constant 0 : i32
    %dma_wait3A_410 = arith.constant 0 : i32
    %dma_wait3A_411 = tpu.memref_slice %arg2[%dma_wait3A_409, %dma_wait3A_410] : memref<524288x128xf32, #tpu.memory_space<hbm>> -> memref<524288x128xf32, #tpu.memory_space<hbm>>
    tpu.wait_indirect_dma semaphore(%arg8 : memref<!tpu.dma_semaphore, #tpu.memory_space<semaphore_mem>>) src(%dma_wait3A_411 : memref<524288x128xf32, #tpu.memory_space<hbm>>) dst(%dma_wait3A_406 : memref<128x128xf32, #tpu.memory_space<vmem>>)
    %dma_wait3A_412 = arith.constant 2 : i32
    %dma_wait3A_413 = arith.constant 128 : i32
    %dma_wait3A_414 = arith.constant 0 : i32
    %dma_wait3A_415 = tpu.memref_slice %arg7[%dma_wait3A_412, %dma_wait3A_413, %dma_wait3A_414] : memref<3x256x128xf32, #tpu.memory_space<vmem>> -> memref<1x128x128xf32, #tpu.memory_space<vmem>>
    %dma_wait3A_416 = tpu.memref_squeeze %dma_wait3A_415 : memref<1x128x128xf32, #tpu.memory_space<vmem>> -> memref<128x128xf32, #tpu.memory_space<vmem>>
    %dma_wait3A_417 = arith.constant 384 : i32
    %dma_wait3A_418 = tpu.memref_slice %arg6[%dma_wait3A_417] : memref<1024xi32, #tpu.memory_space<vmem>> -> memref<128xi32, #tpu.memory_space<vmem>>
    %dma_wait3A_419 = arith.constant 0 : i32
    %dma_wait3A_420 = arith.constant 0 : i32
    %dma_wait3A_421 = tpu.memref_slice %arg2[%dma_wait3A_419, %dma_wait3A_420] : memref<524288x128xf32, #tpu.memory_space<hbm>> -> memref<524288x128xf32, #tpu.memory_space<hbm>>
    tpu.wait_indirect_dma semaphore(%arg8 : memref<!tpu.dma_semaphore, #tpu.memory_space<semaphore_mem>>) src(%dma_wait3A_421 : memref<524288x128xf32, #tpu.memory_space<hbm>>) dst(%dma_wait3A_416 : memref<128x128xf32, #tpu.memory_space<vmem>>)
    %add3A_422 = arith.constant 256 : i32
    %add3A_423 = arith.addi %mul3A_2, %add3A_422 : i32
    %dma_start3A_424 = arith.constant 2 : i32
    %dma_start3A_425 = arith.constant 0 : i32
    %dma_start3A_426 = arith.constant 0 : i32
    %dma_start3A_427 = tpu.memref_slice %arg7[%dma_start3A_424, %dma_start3A_425, %dma_start3A_426] : memref<3x256x128xf32, #tpu.memory_space<vmem>> -> memref<1x256x128xf32, #tpu.memory_space<vmem>>
    %dma_start3A_428 = tpu.memref_squeeze %dma_start3A_427 : memref<1x256x128xf32, #tpu.memory_space<vmem>> -> memref<256x128xf32, #tpu.memory_space<vmem>>
    %dma_start3A_429 = arith.constant 128 : i32
    %dma_start3A_430 = tpu.memref_slice %arg4[%add3A_423, %dma_start3A_429] : memref<32768x256xf32, #tpu.memory_space<hbm>> -> memref<256x128xf32, #tpu.memory_space<hbm>>
    %dma_start3A_431 = arith.constant 128 : i32
    %dma_start3A_432 = tpu.memref_slice %arg4[%add3A_423, %dma_start3A_431] : memref<32768x256xf32, #tpu.memory_space<hbm>> -> memref<256x128xf32, #tpu.memory_space<hbm>>
    %dma_start3A_433 = arith.constant 0 : i32
    %dma_start3A_434 = arith.constant 0 : i32
    %dma_start3A_435 = tpu.memref_slice %arg7[%dma_start3A_424, %dma_start3A_433, %dma_start3A_434] : memref<3x256x128xf32, #tpu.memory_space<vmem>> -> memref<1x256x128xf32, #tpu.memory_space<vmem>>
    %dma_start3A_436 = tpu.memref_squeeze %dma_start3A_435 : memref<1x256x128xf32, #tpu.memory_space<vmem>> -> memref<256x128xf32, #tpu.memory_space<vmem>>
    tpu.enqueue_dma source(%dma_start3A_436 : memref<256x128xf32, #tpu.memory_space<vmem>>) target(%dma_start3A_432 : memref<256x128xf32, #tpu.memory_space<hbm>>) target_semaphore(%arg9 : memref<!tpu.dma_semaphore, #tpu.memory_space<semaphore_mem>>)
    %dma_wait3A_437 = arith.constant 0 : i32
    %dma_wait3A_438 = arith.constant 0 : i32
    %dma_wait3A_439 = arith.constant 0 : i32
    %dma_wait3A_440 = tpu.memref_slice %arg7[%dma_wait3A_437, %dma_wait3A_438, %dma_wait3A_439] : memref<3x256x128xf32, #tpu.memory_space<vmem>> -> memref<1x128x128xf32, #tpu.memory_space<vmem>>
    %dma_wait3A_441 = tpu.memref_squeeze %dma_wait3A_440 : memref<1x128x128xf32, #tpu.memory_space<vmem>> -> memref<128x128xf32, #tpu.memory_space<vmem>>
    %dma_wait3A_442 = arith.constant 512 : i32
    %dma_wait3A_443 = tpu.memref_slice %arg6[%dma_wait3A_442] : memref<1024xi32, #tpu.memory_space<vmem>> -> memref<128xi32, #tpu.memory_space<vmem>>
    %dma_wait3A_444 = arith.constant 0 : i32
    %dma_wait3A_445 = arith.constant 0 : i32
    %dma_wait3A_446 = tpu.memref_slice %arg2[%dma_wait3A_444, %dma_wait3A_445] : memref<524288x128xf32, #tpu.memory_space<hbm>> -> memref<524288x128xf32, #tpu.memory_space<hbm>>
    tpu.wait_indirect_dma semaphore(%arg8 : memref<!tpu.dma_semaphore, #tpu.memory_space<semaphore_mem>>) src(%dma_wait3A_446 : memref<524288x128xf32, #tpu.memory_space<hbm>>) dst(%dma_wait3A_441 : memref<128x128xf32, #tpu.memory_space<vmem>>)
    %dma_wait3A_447 = arith.constant 0 : i32
    %dma_wait3A_448 = arith.constant 128 : i32
    %dma_wait3A_449 = arith.constant 0 : i32
    %dma_wait3A_450 = tpu.memref_slice %arg7[%dma_wait3A_447, %dma_wait3A_448, %dma_wait3A_449] : memref<3x256x128xf32, #tpu.memory_space<vmem>> -> memref<1x128x128xf32, #tpu.memory_space<vmem>>
    %dma_wait3A_451 = tpu.memref_squeeze %dma_wait3A_450 : memref<1x128x128xf32, #tpu.memory_space<vmem>> -> memref<128x128xf32, #tpu.memory_space<vmem>>
    %dma_wait3A_452 = arith.constant 640 : i32
    %dma_wait3A_453 = tpu.memref_slice %arg6[%dma_wait3A_452] : memref<1024xi32, #tpu.memory_space<vmem>> -> memref<128xi32, #tpu.memory_space<vmem>>
    %dma_wait3A_454 = arith.constant 0 : i32
    %dma_wait3A_455 = arith.constant 0 : i32
    %dma_wait3A_456 = tpu.memref_slice %arg2[%dma_wait3A_454, %dma_wait3A_455] : memref<524288x128xf32, #tpu.memory_space<hbm>> -> memref<524288x128xf32, #tpu.memory_space<hbm>>
    tpu.wait_indirect_dma semaphore(%arg8 : memref<!tpu.dma_semaphore, #tpu.memory_space<semaphore_mem>>) src(%dma_wait3A_456 : memref<524288x128xf32, #tpu.memory_space<hbm>>) dst(%dma_wait3A_451 : memref<128x128xf32, #tpu.memory_space<vmem>>)
    %add3A_457 = arith.constant 512 : i32
    %add3A_458 = arith.addi %mul3A_2, %add3A_457 : i32
    %dma_start3A_459 = arith.constant 0 : i32
    %dma_start3A_460 = arith.constant 0 : i32
    %dma_start3A_461 = arith.constant 0 : i32
    %dma_start3A_462 = tpu.memref_slice %arg7[%dma_start3A_459, %dma_start3A_460, %dma_start3A_461] : memref<3x256x128xf32, #tpu.memory_space<vmem>> -> memref<1x256x128xf32, #tpu.memory_space<vmem>>
    %dma_start3A_463 = tpu.memref_squeeze %dma_start3A_462 : memref<1x256x128xf32, #tpu.memory_space<vmem>> -> memref<256x128xf32, #tpu.memory_space<vmem>>
    %dma_start3A_464 = arith.constant 128 : i32
    %dma_start3A_465 = tpu.memref_slice %arg4[%add3A_458, %dma_start3A_464] : memref<32768x256xf32, #tpu.memory_space<hbm>> -> memref<256x128xf32, #tpu.memory_space<hbm>>
    %dma_start3A_466 = arith.constant 128 : i32
    %dma_start3A_467 = tpu.memref_slice %arg4[%add3A_458, %dma_start3A_466] : memref<32768x256xf32, #tpu.memory_space<hbm>> -> memref<256x128xf32, #tpu.memory_space<hbm>>
    %dma_start3A_468 = arith.constant 0 : i32
    %dma_start3A_469 = arith.constant 0 : i32
    %dma_start3A_470 = tpu.memref_slice %arg7[%dma_start3A_459, %dma_start3A_468, %dma_start3A_469] : memref<3x256x128xf32, #tpu.memory_space<vmem>> -> memref<1x256x128xf32, #tpu.memory_space<vmem>>
    %dma_start3A_471 = tpu.memref_squeeze %dma_start3A_470 : memref<1x256x128xf32, #tpu.memory_space<vmem>> -> memref<256x128xf32, #tpu.memory_space<vmem>>
    tpu.enqueue_dma source(%dma_start3A_471 : memref<256x128xf32, #tpu.memory_space<vmem>>) target(%dma_start3A_467 : memref<256x128xf32, #tpu.memory_space<hbm>>) target_semaphore(%arg9 : memref<!tpu.dma_semaphore, #tpu.memory_space<semaphore_mem>>)
    %dma_wait3A_472 = arith.constant 1 : i32
    %dma_wait3A_473 = arith.constant 0 : i32
    %dma_wait3A_474 = arith.constant 0 : i32
    %dma_wait3A_475 = tpu.memref_slice %arg7[%dma_wait3A_472, %dma_wait3A_473, %dma_wait3A_474] : memref<3x256x128xf32, #tpu.memory_space<vmem>> -> memref<1x128x128xf32, #tpu.memory_space<vmem>>
    %dma_wait3A_476 = tpu.memref_squeeze %dma_wait3A_475 : memref<1x128x128xf32, #tpu.memory_space<vmem>> -> memref<128x128xf32, #tpu.memory_space<vmem>>
    %dma_wait3A_477 = arith.constant 768 : i32
    %dma_wait3A_478 = tpu.memref_slice %arg6[%dma_wait3A_477] : memref<1024xi32, #tpu.memory_space<vmem>> -> memref<128xi32, #tpu.memory_space<vmem>>
    %dma_wait3A_479 = arith.constant 0 : i32
    %dma_wait3A_480 = arith.constant 0 : i32
    %dma_wait3A_481 = tpu.memref_slice %arg2[%dma_wait3A_479, %dma_wait3A_480] : memref<524288x128xf32, #tpu.memory_space<hbm>> -> memref<524288x128xf32, #tpu.memory_space<hbm>>
    tpu.wait_indirect_dma semaphore(%arg8 : memref<!tpu.dma_semaphore, #tpu.memory_space<semaphore_mem>>) src(%dma_wait3A_481 : memref<524288x128xf32, #tpu.memory_space<hbm>>) dst(%dma_wait3A_476 : memref<128x128xf32, #tpu.memory_space<vmem>>)
    %dma_wait3A_482 = arith.constant 1 : i32
    %dma_wait3A_483 = arith.constant 128 : i32
    %dma_wait3A_484 = arith.constant 0 : i32
    %dma_wait3A_485 = tpu.memref_slice %arg7[%dma_wait3A_482, %dma_wait3A_483, %dma_wait3A_484] : memref<3x256x128xf32, #tpu.memory_space<vmem>> -> memref<1x128x128xf32, #tpu.memory_space<vmem>>
    %dma_wait3A_486 = tpu.memref_squeeze %dma_wait3A_485 : memref<1x128x128xf32, #tpu.memory_space<vmem>> -> memref<128x128xf32, #tpu.memory_space<vmem>>
    %dma_wait3A_487 = arith.constant 896 : i32
    %dma_wait3A_488 = tpu.memref_slice %arg6[%dma_wait3A_487] : memref<1024xi32, #tpu.memory_space<vmem>> -> memref<128xi32, #tpu.memory_space<vmem>>
    %dma_wait3A_489 = arith.constant 0 : i32
    %dma_wait3A_490 = arith.constant 0 : i32
    %dma_wait3A_491 = tpu.memref_slice %arg2[%dma_wait3A_489, %dma_wait3A_490] : memref<524288x128xf32, #tpu.memory_space<hbm>> -> memref<524288x128xf32, #tpu.memory_space<hbm>>
    tpu.wait_indirect_dma semaphore(%arg8 : memref<!tpu.dma_semaphore, #tpu.memory_space<semaphore_mem>>) src(%dma_wait3A_491 : memref<524288x128xf32, #tpu.memory_space<hbm>>) dst(%dma_wait3A_486 : memref<128x128xf32, #tpu.memory_space<vmem>>)
    %add3A_492 = arith.constant 768 : i32
    %add3A_493 = arith.addi %mul3A_2, %add3A_492 : i32
    %dma_start3A_494 = arith.constant 1 : i32
    %dma_start3A_495 = arith.constant 0 : i32
    %dma_start3A_496 = arith.constant 0 : i32
    %dma_start3A_497 = tpu.memref_slice %arg7[%dma_start3A_494, %dma_start3A_495, %dma_start3A_496] : memref<3x256x128xf32, #tpu.memory_space<vmem>> -> memref<1x256x128xf32, #tpu.memory_space<vmem>>
    %dma_start3A_498 = tpu.memref_squeeze %dma_start3A_497 : memref<1x256x128xf32, #tpu.memory_space<vmem>> -> memref<256x128xf32, #tpu.memory_space<vmem>>
    %dma_start3A_499 = arith.constant 128 : i32
    %dma_start3A_500 = tpu.memref_slice %arg4[%add3A_493, %dma_start3A_499] : memref<32768x256xf32, #tpu.memory_space<hbm>> -> memref<256x128xf32, #tpu.memory_space<hbm>>
    %dma_start3A_501 = arith.constant 128 : i32
    %dma_start3A_502 = tpu.memref_slice %arg4[%add3A_493, %dma_start3A_501] : memref<32768x256xf32, #tpu.memory_space<hbm>> -> memref<256x128xf32, #tpu.memory_space<hbm>>
    %dma_start3A_503 = arith.constant 0 : i32
    %dma_start3A_504 = arith.constant 0 : i32
    %dma_start3A_505 = tpu.memref_slice %arg7[%dma_start3A_494, %dma_start3A_503, %dma_start3A_504] : memref<3x256x128xf32, #tpu.memory_space<vmem>> -> memref<1x256x128xf32, #tpu.memory_space<vmem>>
    %dma_start3A_506 = tpu.memref_squeeze %dma_start3A_505 : memref<1x256x128xf32, #tpu.memory_space<vmem>> -> memref<256x128xf32, #tpu.memory_space<vmem>>
    tpu.enqueue_dma source(%dma_start3A_506 : memref<256x128xf32, #tpu.memory_space<vmem>>) target(%dma_start3A_502 : memref<256x128xf32, #tpu.memory_space<hbm>>) target_semaphore(%arg9 : memref<!tpu.dma_semaphore, #tpu.memory_space<semaphore_mem>>)
    %dma_wait3A_507 = arith.constant 0 : i32
    %dma_wait3A_508 = arith.constant 0 : i32
    %dma_wait3A_509 = arith.constant 0 : i32
    %dma_wait3A_510 = tpu.memref_slice %arg7[%dma_wait3A_507, %dma_wait3A_508, %dma_wait3A_509] : memref<3x256x128xf32, #tpu.memory_space<vmem>> -> memref<1x256x128xf32, #tpu.memory_space<vmem>>
    %dma_wait3A_511 = tpu.memref_squeeze %dma_wait3A_510 : memref<1x256x128xf32, #tpu.memory_space<vmem>> -> memref<256x128xf32, #tpu.memory_space<vmem>>
    %dma_wait3A_512 = arith.constant 128 : i32
    %dma_wait3A_513 = tpu.memref_slice %arg4[%add3A_458, %dma_wait3A_512] : memref<32768x256xf32, #tpu.memory_space<hbm>> -> memref<256x128xf32, #tpu.memory_space<hbm>>
    %dma_wait3A_514 = arith.constant 128 : i32
    %dma_wait3A_515 = tpu.memref_slice %arg4[%add3A_458, %dma_wait3A_514] : memref<32768x256xf32, #tpu.memory_space<hbm>> -> memref<256x128xf32, #tpu.memory_space<hbm>>
    %dma_wait3A_516 = arith.constant 0 : i32
    %dma_wait3A_517 = arith.constant 0 : i32
    %dma_wait3A_518 = tpu.memref_slice %arg7[%dma_wait3A_507, %dma_wait3A_516, %dma_wait3A_517] : memref<3x256x128xf32, #tpu.memory_space<vmem>> -> memref<1x256x128xf32, #tpu.memory_space<vmem>>
    %dma_wait3A_519 = tpu.memref_squeeze %dma_wait3A_518 : memref<1x256x128xf32, #tpu.memory_space<vmem>> -> memref<256x128xf32, #tpu.memory_space<vmem>>
    tpu.wait_dma2 semaphore(%arg9 : memref<!tpu.dma_semaphore, #tpu.memory_space<semaphore_mem>>) src(%dma_wait3A_519 : memref<256x128xf32, #tpu.memory_space<vmem>>) dst(%dma_wait3A_515 : memref<256x128xf32, #tpu.memory_space<hbm>>)
    %dma_wait3A_520 = arith.constant 1 : i32
    %dma_wait3A_521 = arith.constant 0 : i32
    %dma_wait3A_522 = arith.constant 0 : i32
    %dma_wait3A_523 = tpu.memref_slice %arg7[%dma_wait3A_520, %dma_wait3A_521, %dma_wait3A_522] : memref<3x256x128xf32, #tpu.memory_space<vmem>> -> memref<1x256x128xf32, #tpu.memory_space<vmem>>
    %dma_wait3A_524 = tpu.memref_squeeze %dma_wait3A_523 : memref<1x256x128xf32, #tpu.memory_space<vmem>> -> memref<256x128xf32, #tpu.memory_space<vmem>>
    %dma_wait3A_525 = arith.constant 128 : i32
    %dma_wait3A_526 = tpu.memref_slice %arg4[%add3A_493, %dma_wait3A_525] : memref<32768x256xf32, #tpu.memory_space<hbm>> -> memref<256x128xf32, #tpu.memory_space<hbm>>
    %dma_wait3A_527 = arith.constant 128 : i32
    %dma_wait3A_528 = tpu.memref_slice %arg4[%add3A_493, %dma_wait3A_527] : memref<32768x256xf32, #tpu.memory_space<hbm>> -> memref<256x128xf32, #tpu.memory_space<hbm>>
    %dma_wait3A_529 = arith.constant 0 : i32
    %dma_wait3A_530 = arith.constant 0 : i32
    %dma_wait3A_531 = tpu.memref_slice %arg7[%dma_wait3A_520, %dma_wait3A_529, %dma_wait3A_530] : memref<3x256x128xf32, #tpu.memory_space<vmem>> -> memref<1x256x128xf32, #tpu.memory_space<vmem>>
    %dma_wait3A_532 = tpu.memref_squeeze %dma_wait3A_531 : memref<1x256x128xf32, #tpu.memory_space<vmem>> -> memref<256x128xf32, #tpu.memory_space<vmem>>
    tpu.wait_dma2 semaphore(%arg9 : memref<!tpu.dma_semaphore, #tpu.memory_space<semaphore_mem>>) src(%dma_wait3A_532 : memref<256x128xf32, #tpu.memory_space<vmem>>) dst(%dma_wait3A_528 : memref<256x128xf32, #tpu.memory_space<hbm>>)
    %dma_wait3A_533 = arith.constant 2 : i32
    %dma_wait3A_534 = arith.constant 0 : i32
    %dma_wait3A_535 = arith.constant 0 : i32
    %dma_wait3A_536 = tpu.memref_slice %arg7[%dma_wait3A_533, %dma_wait3A_534, %dma_wait3A_535] : memref<3x256x128xf32, #tpu.memory_space<vmem>> -> memref<1x256x128xf32, #tpu.memory_space<vmem>>
    %dma_wait3A_537 = tpu.memref_squeeze %dma_wait3A_536 : memref<1x256x128xf32, #tpu.memory_space<vmem>> -> memref<256x128xf32, #tpu.memory_space<vmem>>
    %dma_wait3A_538 = arith.constant 128 : i32
    %dma_wait3A_539 = tpu.memref_slice %arg4[%add3A_423, %dma_wait3A_538] : memref<32768x256xf32, #tpu.memory_space<hbm>> -> memref<256x128xf32, #tpu.memory_space<hbm>>
    %dma_wait3A_540 = arith.constant 128 : i32
    %dma_wait3A_541 = tpu.memref_slice %arg4[%add3A_423, %dma_wait3A_540] : memref<32768x256xf32, #tpu.memory_space<hbm>> -> memref<256x128xf32, #tpu.memory_space<hbm>>
    %dma_wait3A_542 = arith.constant 0 : i32
    %dma_wait3A_543 = arith.constant 0 : i32
    %dma_wait3A_544 = tpu.memref_slice %arg7[%dma_wait3A_533, %dma_wait3A_542, %dma_wait3A_543] : memref<3x256x128xf32, #tpu.memory_space<vmem>> -> memref<1x256x128xf32, #tpu.memory_space<vmem>>
    %dma_wait3A_545 = tpu.memref_squeeze %dma_wait3A_544 : memref<1x256x128xf32, #tpu.memory_space<vmem>> -> memref<256x128xf32, #tpu.memory_space<vmem>>
    tpu.wait_dma2 semaphore(%arg9 : memref<!tpu.dma_semaphore, #tpu.memory_space<semaphore_mem>>) src(%dma_wait3A_545 : memref<256x128xf32, #tpu.memory_space<vmem>>) dst(%dma_wait3A_541 : memref<256x128xf32, #tpu.memory_space<hbm>>)
    return
  }
}

module attributes {stable_mosaic.version = 14 : i64} {
  func.func @_mlp_body(%arg0: i32, %arg1: i32, %arg2: memref<1x1x4096x256xf32, #tpu.memory_space<vmem>>, %arg3: memref<256x64xf32, #tpu.memory_space<vmem>>, %arg4: memref<1x64xf32, #tpu.memory_space<vmem>>, %arg5: memref<64x1xf32, #tpu.memory_space<vmem>>, %arg6: memref<1x128xf32, #tpu.memory_space<vmem>>, %arg7: memref<128x128xf32, #tpu.memory_space<vmem>>, %arg8: memref<1x32x128xf32, #tpu.memory_space<vmem>>) attributes {dimension_semantics = [#tpu.dimension_semantics<arbitrary>, #tpu.dimension_semantics<arbitrary>], iteration_bounds = array<i64: 2, 4>, scalar_prefetch = 0 : i64, scratch_operands = 0 : i64, tpu.core_type = #tpu.core_type<tc>, window_params = [{transform_indices = @transform_0, window_bounds = array<i64: 1, 1, 4096, 256>}, {pipeline_mode = #tpu.pipeline_mode<synchronous>, transform_indices = @transform_1, window_bounds = array<i64: 256, 64>}, {pipeline_mode = #tpu.pipeline_mode<synchronous>, transform_indices = @transform_2, window_bounds = array<i64: 1, 64>}, {pipeline_mode = #tpu.pipeline_mode<synchronous>, transform_indices = @transform_3, window_bounds = array<i64: 64, 1>}, {pipeline_mode = #tpu.pipeline_mode<synchronous>, transform_indices = @transform_4, window_bounds = array<i64: 1, 128>}, {pipeline_mode = #tpu.pipeline_mode<synchronous>, transform_indices = @transform_5, window_bounds = array<i64: 128, 128>}, {transform_indices = @transform_6, window_bounds = array<i64: 1, 32, 128>}]} {
    %get3A = arith.constant 0 : index
    %get3A_0 = arith.constant 0 : index
    %get3A_1 = arith.constant 0 : index
    %get3A_2 = arith.constant 0 : index
    %get3A_3 = vector.load %arg2[%get3A, %get3A_0, %get3A_1, %get3A_2] : memref<1x1x4096x256xf32, #tpu.memory_space<vmem>>, vector<1x1x4096x256xf32>
    %get3A_4 = vector.shape_cast %get3A_3 : vector<1x1x4096x256xf32> to vector<4096x256xf32>
    %convert_element_type3A = arith.truncf %get3A_4 : vector<4096x256xf32> to vector<4096x256xbf16>
    %get3A_5 = arith.constant 0 : index
    %get3A_6 = arith.constant 0 : index
    %get3A_7 = vector.load %arg3[%get3A_5, %get3A_6] : memref<256x64xf32, #tpu.memory_space<vmem>>, vector<256x64xf32>
    %convert_element_type3A_8 = arith.truncf %get3A_7 : vector<256x64xf32> to vector<256x64xbf16>
    %dot_general3A = arith.constant dense<0.000000e+00> : vector<4096x64xf32>
    %dot_general3A_9 = tpu.matmul %convert_element_type3A, %convert_element_type3A_8, %dot_general3A {dimension_numbers = #tpu.dot_dimension_numbers<[1], [0], [0], [1], [0, 0, 1, 1], [], []>, transpose_lhs_hint = false} : vector<4096x256xbf16>, vector<256x64xbf16>, vector<4096x64xf32> -> vector<4096x64xf32>
    %get3A_10 = arith.constant 0 : index
    %get3A_11 = arith.constant 0 : index
    %get3A_12 = vector.load %arg4[%get3A_10, %get3A_11] : memref<1x64xf32, #tpu.memory_space<vmem>>, vector<1x64xf32>
    %add3A = vector.broadcast %get3A_12 : vector<1x64xf32> to vector<4096x64xf32>
    %add3A_13 = arith.addf %dot_general3A_9, %add3A : vector<4096x64xf32>
    %max3A = arith.constant 0.000000e+00 : f32
    %max3A_14 = vector.broadcast %max3A : f32 to vector<4096x64xf32>
    %max3A_15 = arith.maximumf %add3A_13, %max3A_14 : vector<4096x64xf32>
    %get3A_16 = arith.constant 0 : index
    %get3A_17 = arith.constant 0 : index
    %get3A_18 = vector.load %arg5[%get3A_16, %get3A_17] : memref<64x1xf32, #tpu.memory_space<vmem>>, vector<64x1xf32>
    %dot_general3A_19 = arith.constant dense<0.000000e+00> : vector<4096x1xf32>
    %dot_general3A_20 = tpu.matmul %max3A_15, %get3A_18, %dot_general3A_19 {dimension_numbers = #tpu.dot_dimension_numbers<[1], [0], [0], [1], [0, 0, 1, 1], [], []>, transpose_lhs_hint = false} : vector<4096x64xf32>, vector<64x1xf32>, vector<4096x1xf32> -> vector<4096x1xf32>
    %slice3A = vector.extract_strided_slice %dot_general3A_20 {offsets = [0, 0], sizes = [128, 1], strides = [1, 1]} : vector<4096x1xf32> to vector<128x1xf32>
    %get3A_21 = arith.constant 0 : index
    %get3A_22 = arith.constant 0 : index
    %get3A_23 = vector.load %arg7[%get3A_21, %get3A_22] : memref<128x128xf32, #tpu.memory_space<vmem>>, vector<128x128xf32>
    %dot_general3A_24 = arith.constant dense<0.000000e+00> : vector<1x128xf32>
    %dot_general3A_25 = tpu.matmul %slice3A, %get3A_23, %dot_general3A_24 {dimension_numbers = #tpu.dot_dimension_numbers<[0], [0], [1], [1], [0, 1, 1, 1], [], []>, transpose_lhs_hint = false} : vector<128x1xf32>, vector<128x128xf32>, vector<1x128xf32> -> vector<1x128xf32>
    %slice3A_26 = vector.extract_strided_slice %dot_general3A_20 {offsets = [128, 0], sizes = [128, 1], strides = [1, 1]} : vector<4096x1xf32> to vector<128x1xf32>
    %get3A_27 = arith.constant 0 : index
    %get3A_28 = arith.constant 0 : index
    %get3A_29 = vector.load %arg7[%get3A_27, %get3A_28] : memref<128x128xf32, #tpu.memory_space<vmem>>, vector<128x128xf32>
    %dot_general3A_30 = arith.constant dense<0.000000e+00> : vector<1x128xf32>
    %dot_general3A_31 = tpu.matmul %slice3A_26, %get3A_29, %dot_general3A_30 {dimension_numbers = #tpu.dot_dimension_numbers<[0], [0], [1], [1], [0, 1, 1, 1], [], []>, transpose_lhs_hint = false} : vector<128x1xf32>, vector<128x128xf32>, vector<1x128xf32> -> vector<1x128xf32>
    %slice3A_32 = vector.extract_strided_slice %dot_general3A_20 {offsets = [256, 0], sizes = [128, 1], strides = [1, 1]} : vector<4096x1xf32> to vector<128x1xf32>
    %get3A_33 = arith.constant 0 : index
    %get3A_34 = arith.constant 0 : index
    %get3A_35 = vector.load %arg7[%get3A_33, %get3A_34] : memref<128x128xf32, #tpu.memory_space<vmem>>, vector<128x128xf32>
    %dot_general3A_36 = arith.constant dense<0.000000e+00> : vector<1x128xf32>
    %dot_general3A_37 = tpu.matmul %slice3A_32, %get3A_35, %dot_general3A_36 {dimension_numbers = #tpu.dot_dimension_numbers<[0], [0], [1], [1], [0, 1, 1, 1], [], []>, transpose_lhs_hint = false} : vector<128x1xf32>, vector<128x128xf32>, vector<1x128xf32> -> vector<1x128xf32>
    %slice3A_38 = vector.extract_strided_slice %dot_general3A_20 {offsets = [384, 0], sizes = [128, 1], strides = [1, 1]} : vector<4096x1xf32> to vector<128x1xf32>
    %get3A_39 = arith.constant 0 : index
    %get3A_40 = arith.constant 0 : index
    %get3A_41 = vector.load %arg7[%get3A_39, %get3A_40] : memref<128x128xf32, #tpu.memory_space<vmem>>, vector<128x128xf32>
    %dot_general3A_42 = arith.constant dense<0.000000e+00> : vector<1x128xf32>
    %dot_general3A_43 = tpu.matmul %slice3A_38, %get3A_41, %dot_general3A_42 {dimension_numbers = #tpu.dot_dimension_numbers<[0], [0], [1], [1], [0, 1, 1, 1], [], []>, transpose_lhs_hint = false} : vector<128x1xf32>, vector<128x128xf32>, vector<1x128xf32> -> vector<1x128xf32>
    %slice3A_44 = vector.extract_strided_slice %dot_general3A_20 {offsets = [512, 0], sizes = [128, 1], strides = [1, 1]} : vector<4096x1xf32> to vector<128x1xf32>
    %get3A_45 = arith.constant 0 : index
    %get3A_46 = arith.constant 0 : index
    %get3A_47 = vector.load %arg7[%get3A_45, %get3A_46] : memref<128x128xf32, #tpu.memory_space<vmem>>, vector<128x128xf32>
    %dot_general3A_48 = arith.constant dense<0.000000e+00> : vector<1x128xf32>
    %dot_general3A_49 = tpu.matmul %slice3A_44, %get3A_47, %dot_general3A_48 {dimension_numbers = #tpu.dot_dimension_numbers<[0], [0], [1], [1], [0, 1, 1, 1], [], []>, transpose_lhs_hint = false} : vector<128x1xf32>, vector<128x128xf32>, vector<1x128xf32> -> vector<1x128xf32>
    %slice3A_50 = vector.extract_strided_slice %dot_general3A_20 {offsets = [640, 0], sizes = [128, 1], strides = [1, 1]} : vector<4096x1xf32> to vector<128x1xf32>
    %get3A_51 = arith.constant 0 : index
    %get3A_52 = arith.constant 0 : index
    %get3A_53 = vector.load %arg7[%get3A_51, %get3A_52] : memref<128x128xf32, #tpu.memory_space<vmem>>, vector<128x128xf32>
    %dot_general3A_54 = arith.constant dense<0.000000e+00> : vector<1x128xf32>
    %dot_general3A_55 = tpu.matmul %slice3A_50, %get3A_53, %dot_general3A_54 {dimension_numbers = #tpu.dot_dimension_numbers<[0], [0], [1], [1], [0, 1, 1, 1], [], []>, transpose_lhs_hint = false} : vector<128x1xf32>, vector<128x128xf32>, vector<1x128xf32> -> vector<1x128xf32>
    %slice3A_56 = vector.extract_strided_slice %dot_general3A_20 {offsets = [768, 0], sizes = [128, 1], strides = [1, 1]} : vector<4096x1xf32> to vector<128x1xf32>
    %get3A_57 = arith.constant 0 : index
    %get3A_58 = arith.constant 0 : index
    %get3A_59 = vector.load %arg7[%get3A_57, %get3A_58] : memref<128x128xf32, #tpu.memory_space<vmem>>, vector<128x128xf32>
    %dot_general3A_60 = arith.constant dense<0.000000e+00> : vector<1x128xf32>
    %dot_general3A_61 = tpu.matmul %slice3A_56, %get3A_59, %dot_general3A_60 {dimension_numbers = #tpu.dot_dimension_numbers<[0], [0], [1], [1], [0, 1, 1, 1], [], []>, transpose_lhs_hint = false} : vector<128x1xf32>, vector<128x128xf32>, vector<1x128xf32> -> vector<1x128xf32>
    %slice3A_62 = vector.extract_strided_slice %dot_general3A_20 {offsets = [896, 0], sizes = [128, 1], strides = [1, 1]} : vector<4096x1xf32> to vector<128x1xf32>
    %get3A_63 = arith.constant 0 : index
    %get3A_64 = arith.constant 0 : index
    %get3A_65 = vector.load %arg7[%get3A_63, %get3A_64] : memref<128x128xf32, #tpu.memory_space<vmem>>, vector<128x128xf32>
    %dot_general3A_66 = arith.constant dense<0.000000e+00> : vector<1x128xf32>
    %dot_general3A_67 = tpu.matmul %slice3A_62, %get3A_65, %dot_general3A_66 {dimension_numbers = #tpu.dot_dimension_numbers<[0], [0], [1], [1], [0, 1, 1, 1], [], []>, transpose_lhs_hint = false} : vector<128x1xf32>, vector<128x128xf32>, vector<1x128xf32> -> vector<1x128xf32>
    %slice3A_68 = vector.extract_strided_slice %dot_general3A_20 {offsets = [1024, 0], sizes = [128, 1], strides = [1, 1]} : vector<4096x1xf32> to vector<128x1xf32>
    %get3A_69 = arith.constant 0 : index
    %get3A_70 = arith.constant 0 : index
    %get3A_71 = vector.load %arg7[%get3A_69, %get3A_70] : memref<128x128xf32, #tpu.memory_space<vmem>>, vector<128x128xf32>
    %dot_general3A_72 = arith.constant dense<0.000000e+00> : vector<1x128xf32>
    %dot_general3A_73 = tpu.matmul %slice3A_68, %get3A_71, %dot_general3A_72 {dimension_numbers = #tpu.dot_dimension_numbers<[0], [0], [1], [1], [0, 1, 1, 1], [], []>, transpose_lhs_hint = false} : vector<128x1xf32>, vector<128x128xf32>, vector<1x128xf32> -> vector<1x128xf32>
    %slice3A_74 = vector.extract_strided_slice %dot_general3A_20 {offsets = [1152, 0], sizes = [128, 1], strides = [1, 1]} : vector<4096x1xf32> to vector<128x1xf32>
    %get3A_75 = arith.constant 0 : index
    %get3A_76 = arith.constant 0 : index
    %get3A_77 = vector.load %arg7[%get3A_75, %get3A_76] : memref<128x128xf32, #tpu.memory_space<vmem>>, vector<128x128xf32>
    %dot_general3A_78 = arith.constant dense<0.000000e+00> : vector<1x128xf32>
    %dot_general3A_79 = tpu.matmul %slice3A_74, %get3A_77, %dot_general3A_78 {dimension_numbers = #tpu.dot_dimension_numbers<[0], [0], [1], [1], [0, 1, 1, 1], [], []>, transpose_lhs_hint = false} : vector<128x1xf32>, vector<128x128xf32>, vector<1x128xf32> -> vector<1x128xf32>
    %slice3A_80 = vector.extract_strided_slice %dot_general3A_20 {offsets = [1280, 0], sizes = [128, 1], strides = [1, 1]} : vector<4096x1xf32> to vector<128x1xf32>
    %get3A_81 = arith.constant 0 : index
    %get3A_82 = arith.constant 0 : index
    %get3A_83 = vector.load %arg7[%get3A_81, %get3A_82] : memref<128x128xf32, #tpu.memory_space<vmem>>, vector<128x128xf32>
    %dot_general3A_84 = arith.constant dense<0.000000e+00> : vector<1x128xf32>
    %dot_general3A_85 = tpu.matmul %slice3A_80, %get3A_83, %dot_general3A_84 {dimension_numbers = #tpu.dot_dimension_numbers<[0], [0], [1], [1], [0, 1, 1, 1], [], []>, transpose_lhs_hint = false} : vector<128x1xf32>, vector<128x128xf32>, vector<1x128xf32> -> vector<1x128xf32>
    %slice3A_86 = vector.extract_strided_slice %dot_general3A_20 {offsets = [1408, 0], sizes = [128, 1], strides = [1, 1]} : vector<4096x1xf32> to vector<128x1xf32>
    %get3A_87 = arith.constant 0 : index
    %get3A_88 = arith.constant 0 : index
    %get3A_89 = vector.load %arg7[%get3A_87, %get3A_88] : memref<128x128xf32, #tpu.memory_space<vmem>>, vector<128x128xf32>
    %dot_general3A_90 = arith.constant dense<0.000000e+00> : vector<1x128xf32>
    %dot_general3A_91 = tpu.matmul %slice3A_86, %get3A_89, %dot_general3A_90 {dimension_numbers = #tpu.dot_dimension_numbers<[0], [0], [1], [1], [0, 1, 1, 1], [], []>, transpose_lhs_hint = false} : vector<128x1xf32>, vector<128x128xf32>, vector<1x128xf32> -> vector<1x128xf32>
    %slice3A_92 = vector.extract_strided_slice %dot_general3A_20 {offsets = [1536, 0], sizes = [128, 1], strides = [1, 1]} : vector<4096x1xf32> to vector<128x1xf32>
    %get3A_93 = arith.constant 0 : index
    %get3A_94 = arith.constant 0 : index
    %get3A_95 = vector.load %arg7[%get3A_93, %get3A_94] : memref<128x128xf32, #tpu.memory_space<vmem>>, vector<128x128xf32>
    %dot_general3A_96 = arith.constant dense<0.000000e+00> : vector<1x128xf32>
    %dot_general3A_97 = tpu.matmul %slice3A_92, %get3A_95, %dot_general3A_96 {dimension_numbers = #tpu.dot_dimension_numbers<[0], [0], [1], [1], [0, 1, 1, 1], [], []>, transpose_lhs_hint = false} : vector<128x1xf32>, vector<128x128xf32>, vector<1x128xf32> -> vector<1x128xf32>
    %slice3A_98 = vector.extract_strided_slice %dot_general3A_20 {offsets = [1664, 0], sizes = [128, 1], strides = [1, 1]} : vector<4096x1xf32> to vector<128x1xf32>
    %get3A_99 = arith.constant 0 : index
    %get3A_100 = arith.constant 0 : index
    %get3A_101 = vector.load %arg7[%get3A_99, %get3A_100] : memref<128x128xf32, #tpu.memory_space<vmem>>, vector<128x128xf32>
    %dot_general3A_102 = arith.constant dense<0.000000e+00> : vector<1x128xf32>
    %dot_general3A_103 = tpu.matmul %slice3A_98, %get3A_101, %dot_general3A_102 {dimension_numbers = #tpu.dot_dimension_numbers<[0], [0], [1], [1], [0, 1, 1, 1], [], []>, transpose_lhs_hint = false} : vector<128x1xf32>, vector<128x128xf32>, vector<1x128xf32> -> vector<1x128xf32>
    %slice3A_104 = vector.extract_strided_slice %dot_general3A_20 {offsets = [1792, 0], sizes = [128, 1], strides = [1, 1]} : vector<4096x1xf32> to vector<128x1xf32>
    %get3A_105 = arith.constant 0 : index
    %get3A_106 = arith.constant 0 : index
    %get3A_107 = vector.load %arg7[%get3A_105, %get3A_106] : memref<128x128xf32, #tpu.memory_space<vmem>>, vector<128x128xf32>
    %dot_general3A_108 = arith.constant dense<0.000000e+00> : vector<1x128xf32>
    %dot_general3A_109 = tpu.matmul %slice3A_104, %get3A_107, %dot_general3A_108 {dimension_numbers = #tpu.dot_dimension_numbers<[0], [0], [1], [1], [0, 1, 1, 1], [], []>, transpose_lhs_hint = false} : vector<128x1xf32>, vector<128x128xf32>, vector<1x128xf32> -> vector<1x128xf32>
    %slice3A_110 = vector.extract_strided_slice %dot_general3A_20 {offsets = [1920, 0], sizes = [128, 1], strides = [1, 1]} : vector<4096x1xf32> to vector<128x1xf32>
    %get3A_111 = arith.constant 0 : index
    %get3A_112 = arith.constant 0 : index
    %get3A_113 = vector.load %arg7[%get3A_111, %get3A_112] : memref<128x128xf32, #tpu.memory_space<vmem>>, vector<128x128xf32>
    %dot_general3A_114 = arith.constant dense<0.000000e+00> : vector<1x128xf32>
    %dot_general3A_115 = tpu.matmul %slice3A_110, %get3A_113, %dot_general3A_114 {dimension_numbers = #tpu.dot_dimension_numbers<[0], [0], [1], [1], [0, 1, 1, 1], [], []>, transpose_lhs_hint = false} : vector<128x1xf32>, vector<128x128xf32>, vector<1x128xf32> -> vector<1x128xf32>
    %slice3A_116 = vector.extract_strided_slice %dot_general3A_20 {offsets = [2048, 0], sizes = [128, 1], strides = [1, 1]} : vector<4096x1xf32> to vector<128x1xf32>
    %get3A_117 = arith.constant 0 : index
    %get3A_118 = arith.constant 0 : index
    %get3A_119 = vector.load %arg7[%get3A_117, %get3A_118] : memref<128x128xf32, #tpu.memory_space<vmem>>, vector<128x128xf32>
    %dot_general3A_120 = arith.constant dense<0.000000e+00> : vector<1x128xf32>
    %dot_general3A_121 = tpu.matmul %slice3A_116, %get3A_119, %dot_general3A_120 {dimension_numbers = #tpu.dot_dimension_numbers<[0], [0], [1], [1], [0, 1, 1, 1], [], []>, transpose_lhs_hint = false} : vector<128x1xf32>, vector<128x128xf32>, vector<1x128xf32> -> vector<1x128xf32>
    %slice3A_122 = vector.extract_strided_slice %dot_general3A_20 {offsets = [2176, 0], sizes = [128, 1], strides = [1, 1]} : vector<4096x1xf32> to vector<128x1xf32>
    %get3A_123 = arith.constant 0 : index
    %get3A_124 = arith.constant 0 : index
    %get3A_125 = vector.load %arg7[%get3A_123, %get3A_124] : memref<128x128xf32, #tpu.memory_space<vmem>>, vector<128x128xf32>
    %dot_general3A_126 = arith.constant dense<0.000000e+00> : vector<1x128xf32>
    %dot_general3A_127 = tpu.matmul %slice3A_122, %get3A_125, %dot_general3A_126 {dimension_numbers = #tpu.dot_dimension_numbers<[0], [0], [1], [1], [0, 1, 1, 1], [], []>, transpose_lhs_hint = false} : vector<128x1xf32>, vector<128x128xf32>, vector<1x128xf32> -> vector<1x128xf32>
    %slice3A_128 = vector.extract_strided_slice %dot_general3A_20 {offsets = [2304, 0], sizes = [128, 1], strides = [1, 1]} : vector<4096x1xf32> to vector<128x1xf32>
    %get3A_129 = arith.constant 0 : index
    %get3A_130 = arith.constant 0 : index
    %get3A_131 = vector.load %arg7[%get3A_129, %get3A_130] : memref<128x128xf32, #tpu.memory_space<vmem>>, vector<128x128xf32>
    %dot_general3A_132 = arith.constant dense<0.000000e+00> : vector<1x128xf32>
    %dot_general3A_133 = tpu.matmul %slice3A_128, %get3A_131, %dot_general3A_132 {dimension_numbers = #tpu.dot_dimension_numbers<[0], [0], [1], [1], [0, 1, 1, 1], [], []>, transpose_lhs_hint = false} : vector<128x1xf32>, vector<128x128xf32>, vector<1x128xf32> -> vector<1x128xf32>
    %slice3A_134 = vector.extract_strided_slice %dot_general3A_20 {offsets = [2432, 0], sizes = [128, 1], strides = [1, 1]} : vector<4096x1xf32> to vector<128x1xf32>
    %get3A_135 = arith.constant 0 : index
    %get3A_136 = arith.constant 0 : index
    %get3A_137 = vector.load %arg7[%get3A_135, %get3A_136] : memref<128x128xf32, #tpu.memory_space<vmem>>, vector<128x128xf32>
    %dot_general3A_138 = arith.constant dense<0.000000e+00> : vector<1x128xf32>
    %dot_general3A_139 = tpu.matmul %slice3A_134, %get3A_137, %dot_general3A_138 {dimension_numbers = #tpu.dot_dimension_numbers<[0], [0], [1], [1], [0, 1, 1, 1], [], []>, transpose_lhs_hint = false} : vector<128x1xf32>, vector<128x128xf32>, vector<1x128xf32> -> vector<1x128xf32>
    %slice3A_140 = vector.extract_strided_slice %dot_general3A_20 {offsets = [2560, 0], sizes = [128, 1], strides = [1, 1]} : vector<4096x1xf32> to vector<128x1xf32>
    %get3A_141 = arith.constant 0 : index
    %get3A_142 = arith.constant 0 : index
    %get3A_143 = vector.load %arg7[%get3A_141, %get3A_142] : memref<128x128xf32, #tpu.memory_space<vmem>>, vector<128x128xf32>
    %dot_general3A_144 = arith.constant dense<0.000000e+00> : vector<1x128xf32>
    %dot_general3A_145 = tpu.matmul %slice3A_140, %get3A_143, %dot_general3A_144 {dimension_numbers = #tpu.dot_dimension_numbers<[0], [0], [1], [1], [0, 1, 1, 1], [], []>, transpose_lhs_hint = false} : vector<128x1xf32>, vector<128x128xf32>, vector<1x128xf32> -> vector<1x128xf32>
    %slice3A_146 = vector.extract_strided_slice %dot_general3A_20 {offsets = [2688, 0], sizes = [128, 1], strides = [1, 1]} : vector<4096x1xf32> to vector<128x1xf32>
    %get3A_147 = arith.constant 0 : index
    %get3A_148 = arith.constant 0 : index
    %get3A_149 = vector.load %arg7[%get3A_147, %get3A_148] : memref<128x128xf32, #tpu.memory_space<vmem>>, vector<128x128xf32>
    %dot_general3A_150 = arith.constant dense<0.000000e+00> : vector<1x128xf32>
    %dot_general3A_151 = tpu.matmul %slice3A_146, %get3A_149, %dot_general3A_150 {dimension_numbers = #tpu.dot_dimension_numbers<[0], [0], [1], [1], [0, 1, 1, 1], [], []>, transpose_lhs_hint = false} : vector<128x1xf32>, vector<128x128xf32>, vector<1x128xf32> -> vector<1x128xf32>
    %slice3A_152 = vector.extract_strided_slice %dot_general3A_20 {offsets = [2816, 0], sizes = [128, 1], strides = [1, 1]} : vector<4096x1xf32> to vector<128x1xf32>
    %get3A_153 = arith.constant 0 : index
    %get3A_154 = arith.constant 0 : index
    %get3A_155 = vector.load %arg7[%get3A_153, %get3A_154] : memref<128x128xf32, #tpu.memory_space<vmem>>, vector<128x128xf32>
    %dot_general3A_156 = arith.constant dense<0.000000e+00> : vector<1x128xf32>
    %dot_general3A_157 = tpu.matmul %slice3A_152, %get3A_155, %dot_general3A_156 {dimension_numbers = #tpu.dot_dimension_numbers<[0], [0], [1], [1], [0, 1, 1, 1], [], []>, transpose_lhs_hint = false} : vector<128x1xf32>, vector<128x128xf32>, vector<1x128xf32> -> vector<1x128xf32>
    %slice3A_158 = vector.extract_strided_slice %dot_general3A_20 {offsets = [2944, 0], sizes = [128, 1], strides = [1, 1]} : vector<4096x1xf32> to vector<128x1xf32>
    %get3A_159 = arith.constant 0 : index
    %get3A_160 = arith.constant 0 : index
    %get3A_161 = vector.load %arg7[%get3A_159, %get3A_160] : memref<128x128xf32, #tpu.memory_space<vmem>>, vector<128x128xf32>
    %dot_general3A_162 = arith.constant dense<0.000000e+00> : vector<1x128xf32>
    %dot_general3A_163 = tpu.matmul %slice3A_158, %get3A_161, %dot_general3A_162 {dimension_numbers = #tpu.dot_dimension_numbers<[0], [0], [1], [1], [0, 1, 1, 1], [], []>, transpose_lhs_hint = false} : vector<128x1xf32>, vector<128x128xf32>, vector<1x128xf32> -> vector<1x128xf32>
    %slice3A_164 = vector.extract_strided_slice %dot_general3A_20 {offsets = [3072, 0], sizes = [128, 1], strides = [1, 1]} : vector<4096x1xf32> to vector<128x1xf32>
    %get3A_165 = arith.constant 0 : index
    %get3A_166 = arith.constant 0 : index
    %get3A_167 = vector.load %arg7[%get3A_165, %get3A_166] : memref<128x128xf32, #tpu.memory_space<vmem>>, vector<128x128xf32>
    %dot_general3A_168 = arith.constant dense<0.000000e+00> : vector<1x128xf32>
    %dot_general3A_169 = tpu.matmul %slice3A_164, %get3A_167, %dot_general3A_168 {dimension_numbers = #tpu.dot_dimension_numbers<[0], [0], [1], [1], [0, 1, 1, 1], [], []>, transpose_lhs_hint = false} : vector<128x1xf32>, vector<128x128xf32>, vector<1x128xf32> -> vector<1x128xf32>
    %slice3A_170 = vector.extract_strided_slice %dot_general3A_20 {offsets = [3200, 0], sizes = [128, 1], strides = [1, 1]} : vector<4096x1xf32> to vector<128x1xf32>
    %get3A_171 = arith.constant 0 : index
    %get3A_172 = arith.constant 0 : index
    %get3A_173 = vector.load %arg7[%get3A_171, %get3A_172] : memref<128x128xf32, #tpu.memory_space<vmem>>, vector<128x128xf32>
    %dot_general3A_174 = arith.constant dense<0.000000e+00> : vector<1x128xf32>
    %dot_general3A_175 = tpu.matmul %slice3A_170, %get3A_173, %dot_general3A_174 {dimension_numbers = #tpu.dot_dimension_numbers<[0], [0], [1], [1], [0, 1, 1, 1], [], []>, transpose_lhs_hint = false} : vector<128x1xf32>, vector<128x128xf32>, vector<1x128xf32> -> vector<1x128xf32>
    %slice3A_176 = vector.extract_strided_slice %dot_general3A_20 {offsets = [3328, 0], sizes = [128, 1], strides = [1, 1]} : vector<4096x1xf32> to vector<128x1xf32>
    %get3A_177 = arith.constant 0 : index
    %get3A_178 = arith.constant 0 : index
    %get3A_179 = vector.load %arg7[%get3A_177, %get3A_178] : memref<128x128xf32, #tpu.memory_space<vmem>>, vector<128x128xf32>
    %dot_general3A_180 = arith.constant dense<0.000000e+00> : vector<1x128xf32>
    %dot_general3A_181 = tpu.matmul %slice3A_176, %get3A_179, %dot_general3A_180 {dimension_numbers = #tpu.dot_dimension_numbers<[0], [0], [1], [1], [0, 1, 1, 1], [], []>, transpose_lhs_hint = false} : vector<128x1xf32>, vector<128x128xf32>, vector<1x128xf32> -> vector<1x128xf32>
    %slice3A_182 = vector.extract_strided_slice %dot_general3A_20 {offsets = [3456, 0], sizes = [128, 1], strides = [1, 1]} : vector<4096x1xf32> to vector<128x1xf32>
    %get3A_183 = arith.constant 0 : index
    %get3A_184 = arith.constant 0 : index
    %get3A_185 = vector.load %arg7[%get3A_183, %get3A_184] : memref<128x128xf32, #tpu.memory_space<vmem>>, vector<128x128xf32>
    %dot_general3A_186 = arith.constant dense<0.000000e+00> : vector<1x128xf32>
    %dot_general3A_187 = tpu.matmul %slice3A_182, %get3A_185, %dot_general3A_186 {dimension_numbers = #tpu.dot_dimension_numbers<[0], [0], [1], [1], [0, 1, 1, 1], [], []>, transpose_lhs_hint = false} : vector<128x1xf32>, vector<128x128xf32>, vector<1x128xf32> -> vector<1x128xf32>
    %slice3A_188 = vector.extract_strided_slice %dot_general3A_20 {offsets = [3584, 0], sizes = [128, 1], strides = [1, 1]} : vector<4096x1xf32> to vector<128x1xf32>
    %get3A_189 = arith.constant 0 : index
    %get3A_190 = arith.constant 0 : index
    %get3A_191 = vector.load %arg7[%get3A_189, %get3A_190] : memref<128x128xf32, #tpu.memory_space<vmem>>, vector<128x128xf32>
    %dot_general3A_192 = arith.constant dense<0.000000e+00> : vector<1x128xf32>
    %dot_general3A_193 = tpu.matmul %slice3A_188, %get3A_191, %dot_general3A_192 {dimension_numbers = #tpu.dot_dimension_numbers<[0], [0], [1], [1], [0, 1, 1, 1], [], []>, transpose_lhs_hint = false} : vector<128x1xf32>, vector<128x128xf32>, vector<1x128xf32> -> vector<1x128xf32>
    %slice3A_194 = vector.extract_strided_slice %dot_general3A_20 {offsets = [3712, 0], sizes = [128, 1], strides = [1, 1]} : vector<4096x1xf32> to vector<128x1xf32>
    %get3A_195 = arith.constant 0 : index
    %get3A_196 = arith.constant 0 : index
    %get3A_197 = vector.load %arg7[%get3A_195, %get3A_196] : memref<128x128xf32, #tpu.memory_space<vmem>>, vector<128x128xf32>
    %dot_general3A_198 = arith.constant dense<0.000000e+00> : vector<1x128xf32>
    %dot_general3A_199 = tpu.matmul %slice3A_194, %get3A_197, %dot_general3A_198 {dimension_numbers = #tpu.dot_dimension_numbers<[0], [0], [1], [1], [0, 1, 1, 1], [], []>, transpose_lhs_hint = false} : vector<128x1xf32>, vector<128x128xf32>, vector<1x128xf32> -> vector<1x128xf32>
    %slice3A_200 = vector.extract_strided_slice %dot_general3A_20 {offsets = [3840, 0], sizes = [128, 1], strides = [1, 1]} : vector<4096x1xf32> to vector<128x1xf32>
    %get3A_201 = arith.constant 0 : index
    %get3A_202 = arith.constant 0 : index
    %get3A_203 = vector.load %arg7[%get3A_201, %get3A_202] : memref<128x128xf32, #tpu.memory_space<vmem>>, vector<128x128xf32>
    %dot_general3A_204 = arith.constant dense<0.000000e+00> : vector<1x128xf32>
    %dot_general3A_205 = tpu.matmul %slice3A_200, %get3A_203, %dot_general3A_204 {dimension_numbers = #tpu.dot_dimension_numbers<[0], [0], [1], [1], [0, 1, 1, 1], [], []>, transpose_lhs_hint = false} : vector<128x1xf32>, vector<128x128xf32>, vector<1x128xf32> -> vector<1x128xf32>
    %slice3A_206 = vector.extract_strided_slice %dot_general3A_20 {offsets = [3968, 0], sizes = [128, 1], strides = [1, 1]} : vector<4096x1xf32> to vector<128x1xf32>
    %get3A_207 = arith.constant 0 : index
    %get3A_208 = arith.constant 0 : index
    %get3A_209 = vector.load %arg7[%get3A_207, %get3A_208] : memref<128x128xf32, #tpu.memory_space<vmem>>, vector<128x128xf32>
    %dot_general3A_210 = arith.constant dense<0.000000e+00> : vector<1x128xf32>
    %dot_general3A_211 = tpu.matmul %slice3A_206, %get3A_209, %dot_general3A_210 {dimension_numbers = #tpu.dot_dimension_numbers<[0], [0], [1], [1], [0, 1, 1, 1], [], []>, transpose_lhs_hint = false} : vector<128x1xf32>, vector<128x128xf32>, vector<1x128xf32> -> vector<1x128xf32>
    %concatenate3A = tpu.concatenate %dot_general3A_25, %dot_general3A_31, %dot_general3A_37, %dot_general3A_43, %dot_general3A_49, %dot_general3A_55, %dot_general3A_61, %dot_general3A_67, %dot_general3A_73, %dot_general3A_79, %dot_general3A_85, %dot_general3A_91, %dot_general3A_97, %dot_general3A_103, %dot_general3A_109, %dot_general3A_115, %dot_general3A_121, %dot_general3A_127, %dot_general3A_133, %dot_general3A_139, %dot_general3A_145, %dot_general3A_151, %dot_general3A_157, %dot_general3A_163, %dot_general3A_169, %dot_general3A_175, %dot_general3A_181, %dot_general3A_187, %dot_general3A_193, %dot_general3A_199, %dot_general3A_205, %dot_general3A_211 in 0 : vector<1x128xf32>, vector<1x128xf32>, vector<1x128xf32>, vector<1x128xf32>, vector<1x128xf32>, vector<1x128xf32>, vector<1x128xf32>, vector<1x128xf32>, vector<1x128xf32>, vector<1x128xf32>, vector<1x128xf32>, vector<1x128xf32>, vector<1x128xf32>, vector<1x128xf32>, vector<1x128xf32>, vector<1x128xf32>, vector<1x128xf32>, vector<1x128xf32>, vector<1x128xf32>, vector<1x128xf32>, vector<1x128xf32>, vector<1x128xf32>, vector<1x128xf32>, vector<1x128xf32>, vector<1x128xf32>, vector<1x128xf32>, vector<1x128xf32>, vector<1x128xf32>, vector<1x128xf32>, vector<1x128xf32>, vector<1x128xf32>, vector<1x128xf32> -> vector<32x128xf32>
    %get3A_212 = arith.constant 0 : index
    %get3A_213 = arith.constant 0 : index
    %get3A_214 = vector.load %arg6[%get3A_212, %get3A_213] : memref<1x128xf32, #tpu.memory_space<vmem>>, vector<1x128xf32>
    %add3A_215 = vector.broadcast %get3A_214 : vector<1x128xf32> to vector<32x128xf32>
    %add3A_216 = arith.addf %concatenate3A, %add3A_215 : vector<32x128xf32>
    %swap3A = arith.constant 0 : index
    %swap3A_217 = arith.constant 0 : index
    %swap3A_218 = arith.constant 0 : index
    %swap3A_219 = vector.load %arg8[%swap3A, %swap3A_217, %swap3A_218] : memref<1x32x128xf32, #tpu.memory_space<vmem>>, vector<1x32x128xf32>
    %swap3A_220 = vector.shape_cast %swap3A_219 : vector<1x32x128xf32> to vector<32x128xf32>
    %swap3A_221 = vector.shape_cast %add3A_216 : vector<32x128xf32> to vector<1x32x128xf32>
    tpu.vector_store %arg8[%swap3A, %swap3A_217, %swap3A_218], %swap3A_221 {strides = array<i32>} : memref<1x32x128xf32, #tpu.memory_space<vmem>>, vector<1x32x128xf32>,
    return
  }
  func.func @transform_0(%arg0: i32, %arg1: i32) -> (i32, i32, i32, i32) {
    %c0_i32 = arith.constant 0 : i32
    %c0_i32_0 = arith.constant 0 : i32
    %c0_i32_1 = arith.constant 0 : i32
    return %arg0, %arg1, %c0_i32, %c0_i32_0 : i32, i32, i32, i32
  }
  func.func @transform_1(%arg0: i32, %arg1: i32) -> (i32, i32) {
    %c0_i32 = arith.constant 0 : i32
    %c0_i32_0 = arith.constant 0 : i32
    %c0_i32_1 = arith.constant 0 : i32
    return %c0_i32, %c0_i32_0 : i32, i32
  }
  func.func @transform_2(%arg0: i32, %arg1: i32) -> (i32, i32) {
    %c0_i32 = arith.constant 0 : i32
    %c0_i32_0 = arith.constant 0 : i32
    %c0_i32_1 = arith.constant 0 : i32
    return %c0_i32, %c0_i32_0 : i32, i32
  }
  func.func @transform_3(%arg0: i32, %arg1: i32) -> (i32, i32) {
    %c0_i32 = arith.constant 0 : i32
    %c0_i32_0 = arith.constant 0 : i32
    %c0_i32_1 = arith.constant 0 : i32
    return %c0_i32, %c0_i32_0 : i32, i32
  }
  func.func @transform_4(%arg0: i32, %arg1: i32) -> (i32, i32) {
    %c0_i32 = arith.constant 0 : i32
    %c0_i32_0 = arith.constant 0 : i32
    %c0_i32_1 = arith.constant 0 : i32
    return %c0_i32, %c0_i32_0 : i32, i32
  }
  func.func @transform_5(%arg0: i32, %arg1: i32) -> (i32, i32) {
    %c0_i32 = arith.constant 0 : i32
    %c0_i32_0 = arith.constant 0 : i32
    %c0_i32_1 = arith.constant 0 : i32
    return %c0_i32, %c0_i32_0 : i32, i32
  }
  func.func @transform_6(%arg0: i32, %arg1: i32) -> (i32, i32, i32) {
    %c0_i32 = arith.constant 0 : i32
    %c0_i32_0 = arith.constant 0 : i32
    return %arg0, %arg1, %c0_i32 : i32, i32, i32
  }
}

</mosaic_0001>

<sc_bundles>
// kernel: kernel.4.cloned.1.call-start
scs
__scs_entry_jumppad:
0x0: {  	(pc) =	sbr.rel $0x88, $3  }
0x1: {  	(tag) =	ssettag $0x0;
	lr =	simm.s32 $0x1  }
0x2: {  	[smem:$0x3F9B] =	sst lr;
	_ =	strace $0xD0000000  }
0x3: {  	_ = 	snop  }
0x4: {  	_ = 	snop  }
0x5: {  	_ = 	snop  }
0x6: {  	_ = 	snop  }
0x7: {  	_ = 	snop  }
__scs_overlays_trampoline_lowered:
0x8: {  	[smem:$0x3FAA] =	sst s0  }
0x9: {  	[smem:$0x3FAB] =	sst s1  }
0xa: {  	[smem:$0x3FAC] =	sst s2  }
0xb: {  	[smem:$0x3FAD] =	sst s3  }
0xc: {  	[smem:$0x3FAE] =	sst s4  }
0xd: {  	[smem:$0x3FAF] =	sst s5  }
0xe: {  	[smem:$0x3FB0] =	sst s6  }
0xf: {  	[smem:$0x3FB1] =	sst s7  }
0x10: {  	[smem:$0x3FB2] =	sst s8  }
0x11: {  	[smem:$0x3FB3] =	sst s9;
	s0 =	simm.s32 @!p0 $0x0  }
0x12: {  	s1 =	sld [smem:$0x3F99];
	s0 =	simm.s32 @p0 $0x1  }
0x13: {  	[smem:$0x3FB4] =	sst s0;
	s0 =	simm.s32 @!p1 $0x0  }
0x14: {  	s2 =	sld [smem:$0x3F98];
	s0 =	simm.s32 @p1 $0x1  }
0x15: {  	[smem:$0x3FB5] =	sst s0;
	s0 =	simm.s32 @!p2 $0x0  }
0x16: {  	s3 =	sld [smem:$0x3FDB];
	s0 =	simm.s32 @p2 $0x1  }
0x17: {  	s4 =	simm.s32 $0x1BF5;
	[smem:$0x3FB7] =	sst s0  }
0x18: {  	s0 =	sld [smem:$0x3F9A];
	_ =	swait.ge [sflag:s4], $0x0  }
0x19: {  	s7 =	sld [smem:$0x3F9B]  }
0x1a: {  	s8 =	sadd.s32 $0xFFFFE003, lr  }
0x1b: {  	s9 =	sadd.s32 $0xFFFFFEF7, lr;
	s5 =	simm.s32 $0xFFFFFFFF;
	p2 =	slt.u32 s8, $0xFFFFF086  }
0x1c: {  	p1 =	slt.u32 s9, $0xF7A;
	s5 =	simm.s32 @!p2 $0x0  }
0x1d: {  	s5 =	simm.s32 @p1 $0x1;
	p0 =	seq.s32 s7, s2  }
0x1e: {  	s7 =	smul.u32 @!p0 $0xF7A, s2;
	p2 =	seq.s32 @!p0 s5, $0x0  }
0x1f: {  	s9 =	smul.u32 $0xF7A, s1;
	s8 =	simm.s32 @!p0 $0x1BF5;
	p2 =	por !p2, p0  }
0x20: {  	[sflag:s8] =	ssyncset.s32 @!p0 $0xFFFFF086;
	s6 =	sadd.s32 @!p0 s3, s7;
	s7 =	simm.s32 @!p0 $0x108  }
0x21: {  	s3 =	sadd.s32 s3, s9;
	s6 =	sadd.s32 @!p0 $0x88, s6;
	s7 =	simm.s32 @p2 $0x1082  }
0x22: {  	[simem:s7], [sflag:s8] =	dma.local @!p0 [hbm:s6], $0xF7A  }
0x23: {  	s9 =	sor.u32 $0xD0000000, s2;
	s6 =	simm.s32 $0x108;
	_ =	swait.ge @!p0 [sflag:s8], $0x0  }
0x24: {  	s3 =	sadd.s32 $0x88, s3;
	s6 =	simm.s32 @!p1 $0x1082;
	[sflag:s4] =	ssyncset.s32 $0xFFFFF086  }
0x25: {  	[simem:s6], [sflag:s4] =	dma.local [hbm:s3], $0xF7A  }
0x26: {  	[smem:$0x3F9B] =	sst s1;
	(tag) =	ssettag s2;
	_ =	strace s9  }
0x27: {  	s1 =	sld [smem:$0x3FAB]  }
0x28: {  	s2 =	sld [smem:$0x3FAC]  }
0x29: {  	s4 =	sld [smem:$0x3FAE]  }
0x2a: {  	p0 =	seq.s32 s5, $0x0;
	s5 =	sld [smem:$0x3FAF]  }
0x2b: {  	s6 =	sld [smem:$0x3FB0]  }
0x2c: {  	s7 =	sld [smem:$0x3FB1]  }
0x2d: {  	s3 =	simm.s32 $0x108;
	s8 =	sld [smem:$0x3FB2]  }
0x2e: {  	s3 =	simm.s32 @!p0 $0x1082;
	s9 =	sld [smem:$0x3FB3]  }
0x2f: {  	lr =	sadd.s32 s0, s3;
	s0 =	sld [smem:$0x3FAA]  }
0x30: {  	s3 =	sld [smem:$0x3FAD]  }
0x31: {  	[smem:$0x3FB6] =	sst s10  }
0x32: {  	s10 =	sld [smem:$0x3FB4];
	_ =	sdelay $0x3  }
0x33: {  	p0 =	seq.s32 s10, $0x1;
	s10 =	sld [smem:$0x3FB6];
	_ =	sdelay $0x3  }
0x34: {  	[smem:$0x3FB6] =	sst s10  }
0x35: {  	s10 =	sld [smem:$0x3FB5];
	_ =	sdelay $0x3  }
0x36: {  	p1 =	seq.s32 s10, $0x1;
	s10 =	sld [smem:$0x3FB6];
	_ =	sdelay $0x3  }
0x37: {  	[smem:$0x3FB6] =	sst s10  }
0x38: {  	s10 =	sld [smem:$0x3FB7]  }
0x39: {  	_ = 	snop;
	(pc) =	sbr.ind lr, $3  }
0x3a: {  	_ = 	snop  }
0x3b: {  	_ = 	snop  }
0x3c: {  	p2 =	seq.s32 s10, $0x1;
	s10 =	sld [smem:$0x3FB6]  }
0x3d: {  	_ =	shalt  }
0x3e: {  	_ =	shalt  }
0x3f: {  	_ =	shalt  }
0x40: {  	_ =	shalt  }
0x41: {  	_ =	shalt  }
0x42: {  	_ =	shalt  }
0x43: {  	_ =	shalt  }
0x44: {  	_ =	shalt  }
0x45: {  	_ =	shalt  }
0x46: {  	_ =	shalt  }
0x47: {  	_ =	shalt  }
0x48: {  	_ =	shalt  }
0x49: {  	_ =	shalt  }
0x4a: {  	_ =	shalt  }
0x4b: {  	_ =	shalt  }
0x4c: {  	_ =	shalt  }
0x4d: {  	_ =	shalt  }
0x4e: {  	_ =	shalt  }
0x4f: {  	_ =	shalt  }
0x50: {  	_ =	shalt  }
0x51: {  	_ =	shalt  }
0x52: {  	_ =	shalt  }
0x53: {  	_ =	shalt  }
0x54: {  	_ =	shalt  }
0x55: {  	_ =	shalt  }
0x56: {  	_ =	shalt  }
0x57: {  	_ =	shalt  }
0x58: {  	_ =	shalt  }
0x59: {  	_ =	shalt  }
0x5a: {  	_ =	shalt  }
0x5b: {  	_ =	shalt  }
0x5c: {  	_ =	shalt  }
0x5d: {  	_ =	shalt  }
0x5e: {  	_ =	shalt  }
0x5f: {  	_ =	shalt  }
0x60: {  	_ =	shalt  }
0x61: {  	_ =	shalt  }
0x62: {  	_ =	shalt  }
0x63: {  	_ =	shalt  }
0x64: {  	_ =	shalt  }
0x65: {  	_ =	shalt  }
0x66: {  	_ =	shalt  }
0x67: {  	_ =	shalt  }
0x68: {  	_ =	shalt  }
0x69: {  	_ =	shalt  }
0x6a: {  	_ =	shalt  }
0x6b: {  	_ =	shalt  }
0x6c: {  	_ =	shalt  }
0x6d: {  	_ =	shalt  }
0x6e: {  	_ =	shalt  }
0x6f: {  	_ =	shalt  }
0x70: {  	_ =	shalt  }
0x71: {  	_ =	shalt  }
0x72: {  	_ =	shalt  }
0x73: {  	_ =	shalt  }
0x74: {  	_ =	shalt  }
0x75: {  	_ =	shalt  }
0x76: {  	_ =	shalt  }
0x77: {  	_ =	shalt  }
0x78: {  	_ =	shalt  }
0x79: {  	_ =	shalt  }
0x7a: {  	_ =	shalt  }
0x7b: {  	_ =	shalt  }
0x7c: {  	_ =	shalt  }
0x7d: {  	_ =	shalt  }
0x7e: {  	_ =	shalt  }
0x7f: {  	_ =	shalt  }
0x80: {  	_ =	shalt  }
0x81: {  	_ =	shalt  }
0x82: {  	_ =	shalt  }
0x83: {  	_ =	shalt  }
0x84: {  	_ =	shalt  }
0x85: {  	_ =	shalt  }
0x86: {  	_ =	shalt  }
0x87: {  	_ =	shalt  }
.Lfunc_end0:
.L_simem_size_0:
called_computation_lowered:
.L_overlay_start_0:
0x88: {  	s2 =	sld [smem:$0x3FD9]  }
0x89: {  	s3 =	sld [smem:$0x3FFE];
	_ =	sdelay $0x1  }
0x8a: {  	s1 =	srdreg.scid  }
0x8b: {  	s0 =	sand.u32 $0x1, s1  }
0x8c: {  	s17 =	sshll.u32 s0, $0xA;
	s2 =	sadd.s32 s3, s2  }
0x8d: {  	s2 =	sadd.s32 s2, s17  }
0x8e: {  	[smem:$0x3FC2] =	sst s2  }
0x8f: {  	_ = 	snop  }
0x90: {  	s2 =	sld [smem:$0x3FC9];
	(tm) =	ssettm $0x1  }
0x91: {  	s18 =	sld [smem:$0x3FFB];
	_ =	sdelay $0x3  }
0x92: {  	_ =	strace s18  }
0x93: {  	s3 =	sld [smem:$0x3FFC];
	_ =	sdelay $0x3  }
0x94: {  	_ =	strace s3  }
0x95: {  	s3 =	sld [smem:$0x3FFD];
	_ =	sdelay $0x3  }
0x96: {  	_ =	strace s3  }
0x97: {  	_ =	strace $0x8FFFFFFF  }
0x98: {  	s19 =	sld [smem:$0x3FDB];
	_ =	sdelay $0x1  }
0x99: {  	s4 =	simm.s32 $_scs_section_size  }
0x9a: {  	s5 =	simm.s32 $_size__tile_overlayer_lowered;
	s6 =	simm.s32 $_tile_overlayer_lowered  }
0x9b: {  	s22 =	simm.s32 $0x1BFF;
	s21 =	sshll.u32 s6, $0x1;
	s3 =	sadd.s32 s4, s19  }
0x9c: {  	s7 =	simm.s32 $0x0;
	s20 =	sshll.u32 s5, $0x1;
	s5 =	sadd.s32 s21, s3  }
0x9d: {  	[timem:s7], [sflag:s22] =	dma.local [hbm:s5], s20  }
0x9e: {  	_ =	swait.ge [sflag:s22], s20  }
0x9f: {  	s4 =	ssub.s32 $0x0, s20;
	[sflag:s22] =	ssyncset.done $0x0  }
0xa0: {  	[sflag:s22] =	ssyncadd.s32 s4;
	_ =	sdelay $0x1  }
0xa1: {  	s23 =	simm.s32 $0x1B8B  }
0xa2: {  	_ =	swait.ge [sflag:s23], $0x1  }
0xa3: {  	[sflag:s23] =	ssyncset.done $0x0  }
0xa4: {  	s25 =	simm.s32 $0x1B8E;
	s24 =	sld [smem:$0x3FFE];
	[sflag:s23] =	ssyncadd.s32 $0xFFFFFFFF  }
0xa5: {  	s26 =	simm.s32 $execute0_lowered;
	[smem:$0x3FD2] =	sst s25  }
0xa6: {  	s5 =	sshll.u32 s26, $0x1;
	_ =	strace $0x80000046;
	[dreg:$0x1] =	wrdreg $0xFFFFFFFF  }
0xa7: {  	s28 =	simm.s32 $_size_execute0_lowered;
	s3 =	sadd.s32 s3, s5;
	[dreg:$0x0] =	wrdreg $0x0  }
0xa8: {  	s5 =	sshll.u32 s28, $0x1;
	[dreg:$0x2] =	wrdreg s3  }
0xa9: {  	[dreg:$0x3] =	wrdreg s5  }
0xaa: {  	[dreg:$0x4] =	wrdreg $0xC0  }
0xab: {  	_ =	task [dreg:s7], $0x5FFFF  }
0xac: {  	[dreg:$0x1] =	wrdreg $0xFFFFFFFF  }
0xad: {  	[dreg:$0x0] =	wrdreg $0x60  }
0xae: {  	[dreg:$0x2] =	wrdreg s2  }
0xaf: {  	[dreg:$0x3] =	wrdreg s24  }
0xb0: {  	[dreg:$0x4] =	wrdreg $0x9  }
0xb1: {  	_ =	task.clear_ibuf [dreg:s7], $0x5FFFF;
	_ =	strace $0x90000046  }
0xb2: {  	s29 =	simm.s32 $0x9;
	_ =	strace $0x80000048  }
0xb3: {  	_ =	swait.ge [sflag:s29], $0x1  }
0xb4: {  	[sflag:s29] =	ssyncadd.s32 $0xFFFFFFFF  }
0xb5: {  	_ =	strace $0x90000048  }
0xb6: {  	_ =	sfence  }
0xb7: {  	s30 =	sld [smem:$0x0];
	_ =	sdelay $0x2  }
0xb8: {  	s31 =	sshll.u32 s1, $0xD;
	s1 =	sshrl.u32 s1, $0x2  }
0xb9: {  	s3 =	sand.u32 $0x4000, s31;
	s1 =	sadd.s32 s1, s30  }
0xba: {  	s0 =	sor.u32 s3, s0;
	s1 =	sshll.u32 s1, $0x11  }
0xbb: {  	s0 =	sor.u32 s1, s0  }
0xbc: {  	s0 =	sadd.s32 $0x8F2B, s0  }
0xbd: {  	[sflag:s0] =	ssyncadd.remote.s32 $0x1  }
0xbe: {  	_ =	sfence.sel $0xFFFF  }
0xbf: {  	[dreg:$0x0] =	wrdreg $0xFFFFFFFF;
	(pc) =	sbr.abs _section_cstart, $3  }
0xc0: {  	[dreg:$0x1] =	wrdreg $0xFFFFFFFF  }
0xc1: {  	_ =	task.clear_ibuf [dreg:s7], $0x2FFFF;
	_ =	strace $0x9FFFFFFF  }
0xc2: {  	(tm) =	ssettm $0x7FFFFFFF  }
0xc3: {  	_ =	shalt  }
tec
execute0_lowered:
.L_overlay_start_1:
0x0: {  	(tag) =	ssettag $0x1  }
0x1: {  	s0 =	srdreg.scid;
	s2 =	rddreg [dreg:$0x0]  }
0x2: {  	s1 =	stileid.u32;
	s4 =	rddreg [dreg:$0x1];
	s20 =	simm.s32 $0x0  }
0x3: {  	s11 =	simm.s32 $0x80;
	s28 =	simm.s32 $0x3;
	s6 =	simm.s32 $0x800  }
0x4: {  	s14 =	simm.s32 $0x4800;
	s8 =	simm.s32 $0x8800;
	s29 =	simm.s32 $0x180  }
0x5: {  	s13 =	simm.s32 $0xC800;
	s30 =	simm.s32 $0x200;
	s12 =	simm.s32 $0x10800  }
0x6: {  	s31 =	simm.s32 $0x280;
	s19 =	simm.s32 $0x14800;
	s10 =	simm.s32 $0x1  }
0x7: {  	s7 =	simm.s32 $0x2;
	p0 =	por $0x0, $0x0;
	s0 =	sand.u32 $0x1, s0  }
0x8: {  	s17 =	simm.s32 $0x600;
	s1 =	sshll.u32 s1, $0xB;
	s3 =	sshll.u32 s0, $0xA  }
0x9: {  	s18 =	simm.s32 $0x680;
	s15 =	simm.s32 $0x700;
	s1 =	sor.u32 s3, s1  }
0xa: {  	s16 =	simm.s32 $0x780;
	[smem:$0x7FF] =	sst s20;
	s3 =	sshrl.u32 s1, $0x2  }
0xb: {  	_ =	strace $0x80000047;
	s0 =	ssub.s32 $0x2, s0;
	s3 =	sadd.s32 s3, s4  }
0xc: {  	s24 =	sshrl.u32 s0, $0x1;
	s1 =	sshll.u32 s1, $0x5;
	s5 =	sadd.s32 $0xC00, s3  }
0xd: {  	s1 =	sadd.s32 s1, s4;
	s3 =	sadd.s32 $0xC10, s3;
	[dreg:$0x3] =	wrdreg s5  }
0xe: {  	s0 =	ssub.s32 s0, s24;
	s21 =	sadd.s32 $0x2C00, s1;
	[dreg:$0x4] =	wrdreg s3  }
0xf: {  	s24 =	simm.s32 $0x300;
	s22 =	sadd.s32 $0x4C00, s1;
	[dreg:$0x5] =	wrdreg s21  }
0x10: {  	s0 =	smax.u32 s0, $0x1;
	s23 =	sadd.s32 $0x6C00, s1;
	[dreg:$0x6] =	wrdreg s22  }
0x11: {  	s25 =	sadd.s32 $0x8C00, s1;
	p1 =	sne.s32 s0, $0x1;
	[dreg:$0x7] =	wrdreg s23  }
.Ltmp0:
0x12: {  	s26 =	sadd.s32 $0x2C80, s1;
	[dreg:$0x8] =	wrdreg s25;
	(pc) =	sbr.rel @!p1 .LBB2_3-.Ltmp0, $4  }
0x13: {  	s4 =	simm.s32 $0x400;
	s9 =	sadd.s32 $0x4C80, s1;
	[dreg:$0x9] =	wrdreg s26  }
0x14: {  	s5 =	sadd.s32 $0x6C80, s1;
	s3 =	sadd.s32 $0x8C80, s1;
	s26 =	simm.s32 $0x100  }
0x15: {  	s25 =	simm.s32 $0x380;
	s23 =	simm.s32 $0x480;
	s1 =	sadd.s32 $0xFFFFFFFF, s0  }
0x16: {  	s21 =	simm.s32 $0x500;
	s22 =	simm.s32 $0x580;
	s0 =	rddreg [dreg:$0x3]  }
0x17: {  	[tilespmem:s20], [sflag:$0x3] =	stream.strided.gather [hbm4b:s0+s11], $0x400, s26, s11, $0x38;
	[tilespmem:$0x18800] =	vst v63  }
0x18: {  	_ =	swait.ge [sflag:s28], $0x400  }
0x19: {  	[sflag:s28] =	ssyncset.done $0x0  }
0x1a: {  	s0 =	rddreg [dreg:$0x4];
	[sflag:s28] =	ssyncadd.s32 $0xFFFFFC00  }
0x1b: {  	[tilespmem:s4], [sflag:$0x3] =	stream.strided.gather [hbm4b:s0+s11], $0x400, s26, s11, $0x38;
	[tilespmem:$0x18800] =	vst v63  }
0x1c: {  	_ =	swait.ge [sflag:s28], $0x400  }
0x1d: {  	[sflag:s28] =	ssyncset.done $0x0  }
0x1e: {  	[sflag:s28] =	ssyncadd.s32 $0xFFFFFC00  }
0x1f: {  	[tilespmem:s6], [sflag:$0x1] =	stream.indirect.gather [hbm4b:s2+s11], $0x80, s20, s11, $0xb8;
	[tilespmem:$0x18800] =	vst v63  }
0x20: {  	_ = 	snop  }
0x21: {  	[tilespmem:s14], [sflag:$0x1] =	stream.indirect.gather [hbm4b:s2+s11], $0x80, s11, s11, $0xb8;
	[tilespmem:$0x18800] =	vst v63  }
0x22: {  	_ = 	snop  }
0x23: {  	[tilespmem:s8], [sflag:$0x1] =	stream.indirect.gather [hbm4b:s2+s11], $0x80, s26, s11, $0xb8;
	[tilespmem:$0x18800] =	vst v63  }
0x24: {  	_ = 	snop  }
0x25: {  	[tilespmem:s13], [sflag:$0x1] =	stream.indirect.gather [hbm4b:s2+s11], $0x80, s29, s11, $0xb8;
	[tilespmem:$0x18800] =	vst v63  }
0x26: {  	_ = 	snop  }
0x27: {  	[tilespmem:s12], [sflag:$0x1] =	stream.indirect.gather [hbm4b:s2+s11], $0x80, s30, s11, $0xb8;
	[tilespmem:$0x18800] =	vst v63  }
0x28: {  	_ = 	snop  }
0x29: {  	[tilespmem:s19], [sflag:$0x1] =	stream.indirect.gather [hbm4b:s2+s11], $0x80, s31, s11, $0xb8;
	[tilespmem:$0x18800] =	vst v63  }
0x2a: {  	_ =	swait.ge [sflag:s10], $0x4000  }
0x2b: {  	[sflag:s10] =	ssyncset.done $0x0  }
0x2c: {  	[sflag:s10] =	ssyncadd.s32 $0xFFFFC000  }
0x2d: {  	_ =	swait.ge [sflag:s10], $0x4000  }
0x2e: {  	[sflag:s10] =	ssyncset.done $0x0  }
0x2f: {  	s0 =	rddreg [dreg:$0x5];
	[sflag:s10] =	ssyncadd.s32 $0xFFFFC000  }
0x30: {  	[hbm4b:s0+s4] =	stream.strided.scatter [tilespmem:s6], [sflag:$0x2], $0x8000, s6, s4, $0x38;
	[tilespmem:$0x18800] =	vst v63  }
0x31: {  	_ =	swait.ge [sflag:s7], $0x8000  }
0x32: {  	[sflag:s7] =	ssyncset.done $0x0  }
0x33: {  	[sflag:s7] =	ssyncadd.s32 $0xFFFF8000  }
0x34: {  	[tilespmem:s6], [sflag:$0x1] =	stream.indirect.gather [hbm4b:s2+s11], $0x80, s24, s11, $0xb8;
	[tilespmem:$0x18800] =	vst v63  }
0x35: {  	_ = 	snop  }
0x36: {  	[tilespmem:s14], [sflag:$0x1] =	stream.indirect.gather [hbm4b:s2+s11], $0x80, s25, s11, $0xb8;
	[tilespmem:$0x18800] =	vst v63  }
0x37: {  	_ =	swait.ge [sflag:s10], $0x4000  }
0x38: {  	[sflag:s10] =	ssyncset.done $0x0  }
0x39: {  	[sflag:s10] =	ssyncadd.s32 $0xFFFFC000  }
0x3a: {  	_ =	swait.ge [sflag:s10], $0x4000  }
0x3b: {  	[sflag:s10] =	ssyncset.done $0x0  }
0x3c: {  	s0 =	rddreg [dreg:$0x6];
	[sflag:s10] =	ssyncadd.s32 $0xFFFFC000  }
0x3d: {  	[hbm4b:s0+s4] =	stream.strided.scatter [tilespmem:s8], [sflag:$0x2], $0x8000, s6, s4, $0x38;
	[tilespmem:$0x18800] =	vst v63  }
0x3e: {  	_ =	swait.ge [sflag:s7], $0x8000  }
0x3f: {  	[sflag:s7] =	ssyncset.done $0x0  }
0x40: {  	[sflag:s7] =	ssyncadd.s32 $0xFFFF8000  }
0x41: {  	[tilespmem:s8], [sflag:$0x1] =	stream.indirect.gather [hbm4b:s2+s11], $0x80, s4, s11, $0xb8;
	[tilespmem:$0x18800] =	vst v63  }
0x42: {  	_ = 	snop  }
0x43: {  	[tilespmem:s13], [sflag:$0x1] =	stream.indirect.gather [hbm4b:s2+s11], $0x80, s23, s11, $0xb8;
	[tilespmem:$0x18800] =	vst v63  }
0x44: {  	_ =	swait.ge [sflag:s10], $0x4000  }
0x45: {  	[sflag:s10] =	ssyncset.done $0x0  }
0x46: {  	[sflag:s10] =	ssyncadd.s32 $0xFFFFC000  }
0x47: {  	_ =	swait.ge [sflag:s10], $0x4000  }
0x48: {  	[sflag:s10] =	ssyncset.done $0x0  }
0x49: {  	s0 =	rddreg [dreg:$0x7];
	[sflag:s10] =	ssyncadd.s32 $0xFFFFC000  }
0x4a: {  	[hbm4b:s0+s4] =	stream.strided.scatter [tilespmem:s12], [sflag:$0x2], $0x8000, s6, s4, $0x38;
	[tilespmem:$0x18800] =	vst v63  }
0x4b: {  	_ =	swait.ge [sflag:s7], $0x8000  }
0x4c: {  	[sflag:s7] =	ssyncset.done $0x0  }
0x4d: {  	[sflag:s7] =	ssyncadd.s32 $0xFFFF8000  }
0x4e: {  	[tilespmem:s12], [sflag:$0x1] =	stream.indirect.gather [hbm4b:s2+s11], $0x80, s21, s11, $0xb8;
	[tilespmem:$0x18800] =	vst v63  }
0x4f: {  	_ = 	snop  }
0x50: {  	[tilespmem:s19], [sflag:$0x1] =	stream.indirect.gather [hbm4b:s2+s11], $0x80, s22, s11, $0xb8;
	[tilespmem:$0x18800] =	vst v63  }
0x51: {  	_ =	swait.ge [sflag:s10], $0x4000  }
0x52: {  	[sflag:s10] =	ssyncset.done $0x0  }
0x53: {  	[sflag:s10] =	ssyncadd.s32 $0xFFFFC000  }
0x54: {  	_ =	swait.ge [sflag:s10], $0x4000  }
0x55: {  	[sflag:s10] =	ssyncset.done $0x0  }
0x56: {  	s0 =	rddreg [dreg:$0x8];
	[sflag:s10] =	ssyncadd.s32 $0xFFFFC000  }
0x57: {  	[hbm4b:s0+s4] =	stream.strided.scatter [tilespmem:s6], [sflag:$0x2], $0x8000, s6, s4, $0x38;
	[tilespmem:$0x18800] =	vst v63  }
0x58: {  	_ =	swait.ge [sflag:s7], $0x8000  }
0x59: {  	[sflag:s7] =	ssyncset.done $0x0  }
0x5a: {  	[sflag:s7] =	ssyncadd.s32 $0xFFFF8000  }
0x5b: {  	[tilespmem:s6], [sflag:$0x1] =	stream.indirect.gather [hbm4b:s2+s11], $0x80, s17, s11, $0xb8;
	[tilespmem:$0x18800] =	vst v63  }
0x5c: {  	_ = 	snop  }
0x5d: {  	[tilespmem:s14], [sflag:$0x1] =	stream.indirect.gather [hbm4b:s2+s11], $0x80, s18, s11, $0xb8;
	[tilespmem:$0x18800] =	vst v63  }
0x5e: {  	_ =	swait.ge [sflag:s10], $0x4000  }
0x5f: {  	[sflag:s10] =	ssyncset.done $0x0  }
0x60: {  	[sflag:s10] =	ssyncadd.s32 $0xFFFFC000  }
0x61: {  	_ =	swait.ge [sflag:s10], $0x4000  }
0x62: {  	[sflag:s10] =	ssyncset.done $0x0  }
0x63: {  	s0 =	rddreg [dreg:$0x9];
	[sflag:s10] =	ssyncadd.s32 $0xFFFFC000  }
0x64: {  	[hbm4b:s0+s4] =	stream.strided.scatter [tilespmem:s8], [sflag:$0x2], $0x8000, s6, s4, $0x38;
	[tilespmem:$0x18800] =	vst v63  }
0x65: {  	_ =	swait.ge [sflag:s7], $0x8000  }
0x66: {  	[sflag:s7] =	ssyncset.done $0x0  }
0x67: {  	[sflag:s7] =	ssyncadd.s32 $0xFFFF8000  }
0x68: {  	[tilespmem:s8], [sflag:$0x1] =	stream.indirect.gather [hbm4b:s2+s11], $0x80, s15, s11, $0xb8;
	[tilespmem:$0x18800] =	vst v63  }
0x69: {  	_ = 	snop  }
0x6a: {  	[tilespmem:s13], [sflag:$0x1] =	stream.indirect.gather [hbm4b:s2+s11], $0x80, s16, s11, $0xb8;
	[tilespmem:$0x18800] =	vst v63  }
0x6b: {  	_ =	swait.ge [sflag:s10], $0x4000  }
0x6c: {  	[sflag:s10] =	ssyncset.done $0x0  }
0x6d: {  	[sflag:s10] =	ssyncadd.s32 $0xFFFFC000  }
0x6e: {  	_ =	swait.ge [sflag:s10], $0x4000  }
0x6f: {  	[sflag:s10] =	ssyncset.done $0x0  }
0x70: {  	[sflag:s10] =	ssyncadd.s32 $0xFFFFC000  }
0x71: {  	[hbm4b:s9+s4] =	stream.strided.scatter [tilespmem:s12], [sflag:$0x2], $0x8000, s6, s4, $0x38;
	[tilespmem:$0x18800] =	vst v63  }
0x72: {  	_ =	swait.ge [sflag:s10], $0x4000  }
0x73: {  	[sflag:s10] =	ssyncset.done $0x0  }
0x74: {  	[sflag:s10] =	ssyncadd.s32 $0xFFFFC000  }
0x75: {  	_ =	swait.ge [sflag:s10], $0x4000  }
0x76: {  	[sflag:s10] =	ssyncset.done $0x0  }
0x77: {  	[sflag:s10] =	ssyncadd.s32 $0xFFFFC000  }
0x78: {  	[hbm4b:s5+s4] =	stream.strided.scatter [tilespmem:s6], [sflag:$0x2], $0x8000, s6, s4, $0x38;
	[tilespmem:$0x18800] =	vst v63  }
0x79: {  	_ =	swait.ge [sflag:s10], $0x4000  }
0x7a: {  	[sflag:s10] =	ssyncset.done $0x0  }
0x7b: {  	[sflag:s10] =	ssyncadd.s32 $0xFFFFC000  }
0x7c: {  	_ =	swait.ge [sflag:s10], $0x4000  }
0x7d: {  	[sflag:s10] =	ssyncset.done $0x0  }
0x7e: {  	[sflag:s10] =	ssyncadd.s32 $0xFFFFC000  }
0x7f: {  	[hbm4b:s3+s4] =	stream.strided.scatter [tilespmem:s8], [sflag:$0x2], $0x8000, s6, s4, $0x38;
	[tilespmem:$0x18800] =	vst v63  }
0x80: {  	_ =	swait.ge [sflag:s7], $0x8000  }
0x81: {  	[sflag:s7] =	ssyncset.done $0x0  }
0x82: {  	p1 =	sne.s32 s1, $0x1;
	[sflag:s7] =	ssyncadd.s32 $0xFFFF8000  }
.Ltmp1:
0x83: {  	_ =	swait.ge [sflag:s7], $0x8000;
	(pc) =	sbr.rel @!p1 .LBB2_3-.Ltmp1, $4  }
0x84: {  	[sflag:s7] =	ssyncset.done $0x0  }
0x85: {  	[sflag:s7] =	ssyncadd.s32 $0xFFFF8000  }
0x86: {  	s1 =	sadd.s32 $0xFFFFFFFF, s1;
	_ =	swait.ge [sflag:s7], $0x8000  }
0x87: {  	p0 =	por $0x1, $0x1;
	s0 =	rddreg [dreg:$0x3];
	[sflag:s7] =	ssyncset.done $0x0  }
.LBB2_2:
0x88: {  	[sflag:s7] =	ssyncadd.s32 $0xFFFF8000  }
0x89: {  	[tilespmem:s20], [sflag:$0x3] =	stream.strided.gather [hbm4b:s0+s11], $0x400, s26, s11, $0x38;
	[tilespmem:$0x18800] =	vst v63  }
0x8a: {  	_ =	swait.ge [sflag:s28], $0x400  }
0x8b: {  	[sflag:s28] =	ssyncset.done $0x0  }
0x8c: {  	s0 =	rddreg [dreg:$0x4];
	[sflag:s28] =	ssyncadd.s32 $0xFFFFFC00  }
0x8d: {  	[tilespmem:s4], [sflag:$0x3] =	stream.strided.gather [hbm4b:s0+s11], $0x400, s26, s11, $0x38;
	[tilespmem:$0x18800] =	vst v63  }
0x8e: {  	_ =	swait.ge [sflag:s28], $0x400  }
0x8f: {  	[sflag:s28] =	ssyncset.done $0x0  }
0x90: {  	[sflag:s28] =	ssyncadd.s32 $0xFFFFFC00  }
0x91: {  	[tilespmem:s6], [sflag:$0x1] =	stream.indirect.gather [hbm4b:s2+s11], $0x80, s20, s11, $0xb8;
	[tilespmem:$0x18800] =	vst v63  }
0x92: {  	_ = 	snop  }
0x93: {  	[tilespmem:s14], [sflag:$0x1] =	stream.indirect.gather [hbm4b:s2+s11], $0x80, s11, s11, $0xb8;
	[tilespmem:$0x18800] =	vst v63  }
0x94: {  	_ = 	snop  }
0x95: {  	[tilespmem:s8], [sflag:$0x1] =	stream.indirect.gather [hbm4b:s2+s11], $0x80, s26, s11, $0xb8;
	[tilespmem:$0x18800] =	vst v63  }
0x96: {  	_ = 	snop  }
0x97: {  	[tilespmem:s13], [sflag:$0x1] =	stream.indirect.gather [hbm4b:s2+s11], $0x80, s29, s11, $0xb8;
	[tilespmem:$0x18800] =	vst v63  }
0x98: {  	_ = 	snop  }
0x99: {  	[tilespmem:s12], [sflag:$0x1] =	stream.indirect.gather [hbm4b:s2+s11], $0x80, s30, s11, $0xb8;
	[tilespmem:$0x18800] =	vst v63  }
0x9a: {  	_ = 	snop  }
0x9b: {  	[tilespmem:s19], [sflag:$0x1] =	stream.indirect.gather [hbm4b:s2+s11], $0x80, s31, s11, $0xb8;
	[tilespmem:$0x18800] =	vst v63  }
0x9c: {  	_ =	swait.ge [sflag:s10], $0x4000  }
0x9d: {  	[sflag:s10] =	ssyncset.done $0x0  }
0x9e: {  	[sflag:s10] =	ssyncadd.s32 $0xFFFFC000  }
0x9f: {  	_ =	swait.ge [sflag:s10], $0x4000  }
0xa0: {  	[sflag:s10] =	ssyncset.done $0x0  }
0xa1: {  	s0 =	rddreg [dreg:$0x5];
	[sflag:s10] =	ssyncadd.s32 $0xFFFFC000  }
0xa2: {  	[hbm4b:s0+s4] =	stream.strided.scatter [tilespmem:s6], [sflag:$0x2], $0x8000, s6, s4, $0x38;
	[tilespmem:$0x18800] =	vst v63  }
0xa3: {  	_ =	swait.ge [sflag:s7], $0x8000  }
0xa4: {  	[sflag:s7] =	ssyncset.done $0x0  }
0xa5: {  	[sflag:s7] =	ssyncadd.s32 $0xFFFF8000  }
0xa6: {  	[tilespmem:s6], [sflag:$0x1] =	stream.indirect.gather [hbm4b:s2+s11], $0x80, s24, s11, $0xb8;
	[tilespmem:$0x18800] =	vst v63  }
0xa7: {  	_ = 	snop  }
0xa8: {  	[tilespmem:s14], [sflag:$0x1] =	stream.indirect.gather [hbm4b:s2+s11], $0x80, s25, s11, $0xb8;
	[tilespmem:$0x18800] =	vst v63  }
0xa9: {  	_ =	swait.ge [sflag:s10], $0x4000  }
0xaa: {  	[sflag:s10] =	ssyncset.done $0x0  }
0xab: {  	[sflag:s10] =	ssyncadd.s32 $0xFFFFC000  }
0xac: {  	_ =	swait.ge [sflag:s10], $0x4000  }
0xad: {  	[sflag:s10] =	ssyncset.done $0x0  }
0xae: {  	s0 =	rddreg [dreg:$0x6];
	[sflag:s10] =	ssyncadd.s32 $0xFFFFC000  }
0xaf: {  	[hbm4b:s0+s4] =	stream.strided.scatter [tilespmem:s8], [sflag:$0x2], $0x8000, s6, s4, $0x38;
	[tilespmem:$0x18800] =	vst v63  }
0xb0: {  	_ =	swait.ge [sflag:s7], $0x8000  }
0xb1: {  	[sflag:s7] =	ssyncset.done $0x0  }
0xb2: {  	[sflag:s7] =	ssyncadd.s32 $0xFFFF8000  }
0xb3: {  	[tilespmem:s8], [sflag:$0x1] =	stream.indirect.gather [hbm4b:s2+s11], $0x80, s4, s11, $0xb8;
	[tilespmem:$0x18800] =	vst v63  }
0xb4: {  	_ = 	snop  }
0xb5: {  	[tilespmem:s13], [sflag:$0x1] =	stream.indirect.gather [hbm4b:s2+s11], $0x80, s23, s11, $0xb8;
	[tilespmem:$0x18800] =	vst v63  }
0xb6: {  	_ =	swait.ge [sflag:s10], $0x4000  }
0xb7: {  	[sflag:s10] =	ssyncset.done $0x0  }
0xb8: {  	[sflag:s10] =	ssyncadd.s32 $0xFFFFC000  }
0xb9: {  	_ =	swait.ge [sflag:s10], $0x4000  }
0xba: {  	[sflag:s10] =	ssyncset.done $0x0  }
0xbb: {  	s0 =	rddreg [dreg:$0x7];
	[sflag:s10] =	ssyncadd.s32 $0xFFFFC000  }
0xbc: {  	[hbm4b:s0+s4] =	stream.strided.scatter [tilespmem:s12], [sflag:$0x2], $0x8000, s6, s4, $0x38;
	[tilespmem:$0x18800] =	vst v63  }
0xbd: {  	_ =	swait.ge [sflag:s7], $0x8000  }
0xbe: {  	[sflag:s7] =	ssyncset.done $0x0  }
0xbf: {  	[sflag:s7] =	ssyncadd.s32 $0xFFFF8000  }
0xc0: {  	[tilespmem:s12], [sflag:$0x1] =	stream.indirect.gather [hbm4b:s2+s11], $0x80, s21, s11, $0xb8;
	[tilespmem:$0x18800] =	vst v63  }
0xc1: {  	_ = 	snop  }
0xc2: {  	[tilespmem:s19], [sflag:$0x1] =	stream.indirect.gather [hbm4b:s2+s11], $0x80, s22, s11, $0xb8;
	[tilespmem:$0x18800] =	vst v63  }
0xc3: {  	_ =	swait.ge [sflag:s10], $0x4000  }
0xc4: {  	[sflag:s10] =	ssyncset.done $0x0  }
0xc5: {  	[sflag:s10] =	ssyncadd.s32 $0xFFFFC000  }
0xc6: {  	_ =	swait.ge [sflag:s10], $0x4000  }
0xc7: {  	[sflag:s10] =	ssyncset.done $0x0  }
0xc8: {  	s0 =	rddreg [dreg:$0x8];
	[sflag:s10] =	ssyncadd.s32 $0xFFFFC000  }
0xc9: {  	[hbm4b:s0+s4] =	stream.strided.scatter [tilespmem:s6], [sflag:$0x2], $0x8000, s6, s4, $0x38;
	[tilespmem:$0x18800] =	vst v63  }
0xca: {  	_ =	swait.ge [sflag:s7], $0x8000  }
0xcb: {  	[sflag:s7] =	ssyncset.done $0x0  }
0xcc: {  	[sflag:s7] =	ssyncadd.s32 $0xFFFF8000  }
0xcd: {  	[tilespmem:s6], [sflag:$0x1] =	stream.indirect.gather [hbm4b:s2+s11], $0x80, s17, s11, $0xb8;
	[tilespmem:$0x18800] =	vst v63  }
0xce: {  	_ = 	snop  }
0xcf: {  	[tilespmem:s14], [sflag:$0x1] =	stream.indirect.gather [hbm4b:s2+s11], $0x80, s18, s11, $0xb8;
	[tilespmem:$0x18800] =	vst v63  }
0xd0: {  	_ =	swait.ge [sflag:s10], $0x4000  }
0xd1: {  	[sflag:s10] =	ssyncset.done $0x0  }
0xd2: {  	[sflag:s10] =	ssyncadd.s32 $0xFFFFC000  }
0xd3: {  	_ =	swait.ge [sflag:s10], $0x4000  }
0xd4: {  	[sflag:s10] =	ssyncset.done $0x0  }
0xd5: {  	s0 =	rddreg [dreg:$0x9];
	[sflag:s10] =	ssyncadd.s32 $0xFFFFC000  }
0xd6: {  	[hbm4b:s0+s4] =	stream.strided.scatter [tilespmem:s8], [sflag:$0x2], $0x8000, s6, s4, $0x38;
	[tilespmem:$0x18800] =	vst v63  }
0xd7: {  	_ =	swait.ge [sflag:s7], $0x8000  }
0xd8: {  	[sflag:s7] =	ssyncset.done $0x0  }
0xd9: {  	[sflag:s7] =	ssyncadd.s32 $0xFFFF8000  }
0xda: {  	[tilespmem:s8], [sflag:$0x1] =	stream.indirect.gather [hbm4b:s2+s11], $0x80, s15, s11, $0xb8;
	[tilespmem:$0x18800] =	vst v63  }
0xdb: {  	_ = 	snop  }
0xdc: {  	[tilespmem:s13], [sflag:$0x1] =	stream.indirect.gather [hbm4b:s2+s11], $0x80, s16, s11, $0xb8;
	[tilespmem:$0x18800] =	vst v63  }
0xdd: {  	_ =	swait.ge [sflag:s10], $0x4000  }
0xde: {  	[sflag:s10] =	ssyncset.done $0x0  }
0xdf: {  	[sflag:s10] =	ssyncadd.s32 $0xFFFFC000  }
0xe0: {  	_ =	swait.ge [sflag:s10], $0x4000  }
0xe1: {  	[sflag:s10] =	ssyncset.done $0x0  }
0xe2: {  	[sflag:s10] =	ssyncadd.s32 $0xFFFFC000  }
0xe3: {  	[hbm4b:s9+s4] =	stream.strided.scatter [tilespmem:s12], [sflag:$0x2], $0x8000, s6, s4, $0x38;
	[tilespmem:$0x18800] =	vst v63  }
0xe4: {  	_ =	swait.ge [sflag:s10], $0x4000  }
0xe5: {  	[sflag:s10] =	ssyncset.done $0x0  }
0xe6: {  	[sflag:s10] =	ssyncadd.s32 $0xFFFFC000  }
0xe7: {  	_ =	swait.ge [sflag:s10], $0x4000  }
0xe8: {  	[sflag:s10] =	ssyncset.done $0x0  }
0xe9: {  	[sflag:s10] =	ssyncadd.s32 $0xFFFFC000  }
0xea: {  	[hbm4b:s5+s4] =	stream.strided.scatter [tilespmem:s6], [sflag:$0x2], $0x8000, s6, s4, $0x38;
	[tilespmem:$0x18800] =	vst v63  }
0xeb: {  	_ =	swait.ge [sflag:s10], $0x4000  }
0xec: {  	[sflag:s10] =	ssyncset.done $0x0  }
0xed: {  	[sflag:s10] =	ssyncadd.s32 $0xFFFFC000  }
0xee: {  	_ =	swait.ge [sflag:s10], $0x4000  }
0xef: {  	[sflag:s10] =	ssyncset.done $0x0  }
0xf0: {  	[sflag:s10] =	ssyncadd.s32 $0xFFFFC000  }
0xf1: {  	[hbm4b:s3+s4] =	stream.strided.scatter [tilespmem:s8], [sflag:$0x2], $0x8000, s6, s4, $0x38;
	[tilespmem:$0x18800] =	vst v63  }
0xf2: {  	_ =	swait.ge [sflag:s7], $0x8000  }
0xf3: {  	[sflag:s7] =	ssyncset.done $0x0  }
0xf4: {  	p1 =	sne.s32 s1, $0x1;
	[sflag:s7] =	ssyncadd.s32 $0xFFFF8000  }
.Ltmp2:
0xf5: {  	_ =	swait.ge [sflag:s7], $0x8000;
	(pc) =	sbr.rel @p1 .LBB2_2-.Ltmp2, $4  }
0xf6: {  	[sflag:s7] =	ssyncset.done $0x0  }
0xf7: {  	[sflag:s7] =	ssyncadd.s32 $0xFFFF8000  }
0xf8: {  	_ =	swait.ge [sflag:s7], $0x8000  }
0xf9: {  	s1 =	sadd.s32 $0xFFFFFFFF, s1;
	s0 =	rddreg [dreg:$0x3];
	[sflag:s7] =	ssyncset.done $0x0  }
.LBB2_3:
0xfa: {  	[sflag:s7] =	ssyncadd.s32 @p0 $0xFFFF8000  }
0xfb: {  	[tilespmem:s20], [sflag:$0x3] =	stream.strided.gather [hbm4b:s0+s11], $0x400, s26, s11, $0x38;
	[tilespmem:$0x18800] =	vst v63  }
0xfc: {  	_ =	swait.ge [sflag:s28], $0x400  }
0xfd: {  	[sflag:s28] =	ssyncset.done $0x0  }
0xfe: {  	s1 =	rddreg [dreg:$0x4];
	[sflag:s28] =	ssyncadd.s32 $0xFFFFFC00  }
0xff: {  	[tilespmem:s4], [sflag:$0x3] =	stream.strided.gather [hbm4b:s1+s11], $0x400, s26, s11, $0x38;
	[tilespmem:$0x18800] =	vst v63  }
0x100: {  	_ =	swait.ge [sflag:s28], $0x400  }
0x101: {  	[sflag:s28] =	ssyncset.done $0x0  }
0x102: {  	[sflag:s28] =	ssyncadd.s32 $0xFFFFFC00  }
0x103: {  	[tilespmem:s6], [sflag:$0x1] =	stream.indirect.gather [hbm4b:s2+s11], $0x80, s20, s11, $0xb8;
	[tilespmem:$0x18800] =	vst v63  }
0x104: {  	_ = 	snop  }
0x105: {  	[tilespmem:s14], [sflag:$0x1] =	stream.indirect.gather [hbm4b:s2+s11], $0x80, s11, s11, $0xb8;
	[tilespmem:$0x18800] =	vst v63  }
0x106: {  	_ = 	snop  }
0x107: {  	[tilespmem:s8], [sflag:$0x1] =	stream.indirect.gather [hbm4b:s2+s11], $0x80, s26, s11, $0xb8;
	[tilespmem:$0x18800] =	vst v63  }
0x108: {  	_ = 	snop  }
0x109: {  	[tilespmem:s13], [sflag:$0x1] =	stream.indirect.gather [hbm4b:s2+s11], $0x80, s29, s11, $0xb8;
	[tilespmem:$0x18800] =	vst v63  }
0x10a: {  	_ = 	snop  }
0x10b: {  	[tilespmem:s12], [sflag:$0x1] =	stream.indirect.gather [hbm4b:s2+s11], $0x80, s30, s11, $0xb8;
	[tilespmem:$0x18800] =	vst v63  }
0x10c: {  	_ = 	snop  }
0x10d: {  	[tilespmem:s19], [sflag:$0x1] =	stream.indirect.gather [hbm4b:s2+s11], $0x80, s31, s11, $0xb8;
	[tilespmem:$0x18800] =	vst v63  }
0x10e: {  	_ =	swait.ge [sflag:s10], $0x4000  }
0x10f: {  	[sflag:s10] =	ssyncset.done $0x0  }
0x110: {  	[sflag:s10] =	ssyncadd.s32 $0xFFFFC000  }
0x111: {  	_ =	swait.ge [sflag:s10], $0x4000  }
0x112: {  	[sflag:s10] =	ssyncset.done $0x0  }
0x113: {  	s20 =	rddreg [dreg:$0x5];
	[sflag:s10] =	ssyncadd.s32 $0xFFFFC000  }
0x114: {  	[hbm4b:s20+s4] =	stream.strided.scatter [tilespmem:s6], [sflag:$0x2], $0x8000, s6, s4, $0x38;
	[tilespmem:$0x18800] =	vst v63  }
0x115: {  	_ =	swait.ge [sflag:s7], $0x8000  }
0x116: {  	[sflag:s7] =	ssyncset.done $0x0  }
0x117: {  	[sflag:s7] =	ssyncadd.s32 $0xFFFF8000  }
0x118: {  	[tilespmem:s6], [sflag:$0x1] =	stream.indirect.gather [hbm4b:s2+s11], $0x80, s24, s11, $0xb8;
	[tilespmem:$0x18800] =	vst v63  }
0x119: {  	_ = 	snop  }
0x11a: {  	[tilespmem:s14], [sflag:$0x1] =	stream.indirect.gather [hbm4b:s2+s11], $0x80, s25, s11, $0xb8;
	[tilespmem:$0x18800] =	vst v63  }
0x11b: {  	_ =	swait.ge [sflag:s10], $0x4000  }
0x11c: {  	[sflag:s10] =	ssyncset.done $0x0  }
0x11d: {  	[sflag:s10] =	ssyncadd.s32 $0xFFFFC000  }
0x11e: {  	_ =	swait.ge [sflag:s10], $0x4000  }
0x11f: {  	[sflag:s10] =	ssyncset.done $0x0  }
0x120: {  	s26 =	rddreg [dreg:$0x6];
	[sflag:s10] =	ssyncadd.s32 $0xFFFFC000  }
0x121: {  	[hbm4b:s26+s4] =	stream.strided.scatter [tilespmem:s8], [sflag:$0x2], $0x8000, s6, s4, $0x38;
	[tilespmem:$0x18800] =	vst v63  }
0x122: {  	_ =	swait.ge [sflag:s7], $0x8000  }
0x123: {  	[sflag:s7] =	ssyncset.done $0x0  }
0x124: {  	[sflag:s7] =	ssyncadd.s32 $0xFFFF8000  }
0x125: {  	[tilespmem:s8], [sflag:$0x1] =	stream.indirect.gather [hbm4b:s2+s11], $0x80, s4, s11, $0xb8;
	[tilespmem:$0x18800] =	vst v63  }
0x126: {  	_ = 	snop  }
0x127: {  	[tilespmem:s13], [sflag:$0x1] =	stream.indirect.gather [hbm4b:s2+s11], $0x80, s23, s11, $0xb8;
	[tilespmem:$0x18800] =	vst v63  }
0x128: {  	_ =	swait.ge [sflag:s10], $0x4000  }
0x129: {  	[sflag:s10] =	ssyncset.done $0x0  }
0x12a: {  	[sflag:s10] =	ssyncadd.s32 $0xFFFFC000  }
0x12b: {  	_ =	swait.ge [sflag:s10], $0x4000  }
0x12c: {  	[sflag:s10] =	ssyncset.done $0x0  }
0x12d: {  	s28 =	rddreg [dreg:$0x7];
	[sflag:s10] =	ssyncadd.s32 $0xFFFFC000  }
0x12e: {  	[hbm4b:s28+s4] =	stream.strided.scatter [tilespmem:s12], [sflag:$0x2], $0x8000, s6, s4, $0x38;
	[tilespmem:$0x18800] =	vst v63  }
0x12f: {  	_ =	swait.ge [sflag:s7], $0x8000  }
0x130: {  	[sflag:s7] =	ssyncset.done $0x0  }
0x131: {  	[sflag:s7] =	ssyncadd.s32 $0xFFFF8000  }
0x132: {  	[tilespmem:s12], [sflag:$0x1] =	stream.indirect.gather [hbm4b:s2+s11], $0x80, s21, s11, $0xb8;
	[tilespmem:$0x18800] =	vst v63  }
0x133: {  	_ = 	snop  }
0x134: {  	[tilespmem:s19], [sflag:$0x1] =	stream.indirect.gather [hbm4b:s2+s11], $0x80, s22, s11, $0xb8;
	[tilespmem:$0x18800] =	vst v63  }
0x135: {  	_ =	swait.ge [sflag:s10], $0x4000  }
0x136: {  	[sflag:s10] =	ssyncset.done $0x0  }
0x137: {  	[sflag:s10] =	ssyncadd.s32 $0xFFFFC000  }
0x138: {  	_ =	swait.ge [sflag:s10], $0x4000  }
0x139: {  	[sflag:s10] =	ssyncset.done $0x0  }
0x13a: {  	s29 =	rddreg [dreg:$0x8];
	[sflag:s10] =	ssyncadd.s32 $0xFFFFC000  }
0x13b: {  	[hbm4b:s29+s4] =	stream.strided.scatter [tilespmem:s6], [sflag:$0x2], $0x8000, s6, s4, $0x38;
	[tilespmem:$0x18800] =	vst v63  }
0x13c: {  	_ =	swait.ge [sflag:s7], $0x8000  }
0x13d: {  	[sflag:s7] =	ssyncset.done $0x0  }
0x13e: {  	[sflag:s7] =	ssyncadd.s32 $0xFFFF8000  }
0x13f: {  	[tilespmem:s6], [sflag:$0x1] =	stream.indirect.gather [hbm4b:s2+s11], $0x80, s17, s11, $0xb8;
	[tilespmem:$0x18800] =	vst v63  }
0x140: {  	_ = 	snop  }
0x141: {  	[tilespmem:s14], [sflag:$0x1] =	stream.indirect.gather [hbm4b:s2+s11], $0x80, s18, s11, $0xb8;
	[tilespmem:$0x18800] =	vst v63  }
0x142: {  	_ =	swait.ge [sflag:s10], $0x4000  }
0x143: {  	[sflag:s10] =	ssyncset.done $0x0  }
0x144: {  	[sflag:s10] =	ssyncadd.s32 $0xFFFFC000  }
0x145: {  	_ =	swait.ge [sflag:s10], $0x4000  }
0x146: {  	[sflag:s10] =	ssyncset.done $0x0  }
0x147: {  	s30 =	rddreg [dreg:$0x9];
	[sflag:s10] =	ssyncadd.s32 $0xFFFFC000  }
0x148: {  	[hbm4b:s30+s4] =	stream.strided.scatter [tilespmem:s8], [sflag:$0x2], $0x8000, s6, s4, $0x38;
	[tilespmem:$0x18800] =	vst v63  }
0x149: {  	_ =	swait.ge [sflag:s7], $0x8000  }
0x14a: {  	[sflag:s7] =	ssyncset.done $0x0  }
0x14b: {  	[sflag:s7] =	ssyncadd.s32 $0xFFFF8000  }
0x14c: {  	[tilespmem:s8], [sflag:$0x1] =	stream.indirect.gather [hbm4b:s2+s11], $0x80, s15, s11, $0xb8;
	[tilespmem:$0x18800] =	vst v63  }
0x14d: {  	_ = 	snop  }
0x14e: {  	[tilespmem:s13], [sflag:$0x1] =	stream.indirect.gather [hbm4b:s2+s11], $0x80, s16, s11, $0xb8;
	[tilespmem:$0x18800] =	vst v63  }
0x14f: {  	_ =	swait.ge [sflag:s10], $0x4000  }
0x150: {  	[sflag:s10] =	ssyncset.done $0x0  }
0x151: {  	[sflag:s10] =	ssyncadd.s32 $0xFFFFC000  }
0x152: {  	_ =	swait.ge [sflag:s10], $0x4000  }
0x153: {  	[sflag:s10] =	ssyncset.done $0x0  }
0x154: {  	[sflag:s10] =	ssyncadd.s32 $0xFFFFC000  }
0x155: {  	[hbm4b:s9+s4] =	stream.strided.scatter [tilespmem:s12], [sflag:$0x2], $0x8000, s6, s4, $0x38;
	[tilespmem:$0x18800] =	vst v63  }
0x156: {  	_ =	swait.ge [sflag:s10], $0x4000  }
0x157: {  	[sflag:s10] =	ssyncset.done $0x0  }
0x158: {  	[sflag:s10] =	ssyncadd.s32 $0xFFFFC000  }
0x159: {  	_ =	swait.ge [sflag:s10], $0x4000  }
0x15a: {  	[sflag:s10] =	ssyncset.done $0x0  }
0x15b: {  	[sflag:s10] =	ssyncadd.s32 $0xFFFFC000  }
0x15c: {  	[hbm4b:s5+s4] =	stream.strided.scatter [tilespmem:s6], [sflag:$0x2], $0x8000, s6, s4, $0x38;
	[tilespmem:$0x18800] =	vst v63  }
0x15d: {  	_ =	swait.ge [sflag:s10], $0x4000  }
0x15e: {  	[sflag:s10] =	ssyncset.done $0x0  }
0x15f: {  	[sflag:s10] =	ssyncadd.s32 $0xFFFFC000  }
0x160: {  	_ =	swait.ge [sflag:s10], $0x4000  }
0x161: {  	[sflag:s10] =	ssyncset.done $0x0  }
0x162: {  	[sflag:s10] =	ssyncadd.s32 $0xFFFFC000  }
0x163: {  	[hbm4b:s3+s4] =	stream.strided.scatter [tilespmem:s8], [sflag:$0x2], $0x8000, s6, s4, $0x38;
	[tilespmem:$0x18800] =	vst v63  }
0x164: {  	_ =	swait.ge [sflag:s7], $0x8000  }
0x165: {  	[sflag:s7] =	ssyncset.done $0x0  }
0x166: {  	[sflag:s7] =	ssyncadd.s32 $0xFFFF8000  }
0x167: {  	_ =	swait.ge [sflag:s7], $0x8000  }
0x168: {  	[sflag:s7] =	ssyncset.done $0x0  }
0x169: {  	[sflag:s7] =	ssyncadd.s32 $0xFFFF8000  }
0x16a: {  	_ =	swait.ge [sflag:s7], $0x8000  }
0x16b: {  	[sflag:s7] =	ssyncset.done $0x0  }
0x16c: {  	[sflag:s7] =	ssyncadd.s32 $0xFFFF8000  }
0x16d: {  	_ =	sfence.sel $0x180000  }
0x16e: {  	[bflag:$0x0] =	sbarrier.arrive $0xFFFF  }
0x16f: {  	_ =	strace $0x90000047  }
0x170: {  	s31 =	stileid.u32;
	[bflag:$0x2] =	sbarrier.arrive $0xFFFF  }
0x171: {  	p0 =	sne.s32 s31, $0x0;
	s0 =	rddreg [dreg:$0x2]  }
0x172: {  	s0 =	sadd.s32 @!p0 $0x100000, s0  }
0x173: {  	[sflag:s0] =	ssyncadd.tile.s32 @!p0 $0x1;
	_ =	shalt  }
.Lfunc_end2:
_tile_overlayer_lowered:
.L_overlay_start_2:
0x174: {  	(tag) =	ssettag $0x2  }
0x175: {  	s0 =	rddreg [dreg:$0x0];
	s2 =	stileid.u32  }
0x176: {  	s1 =	rddreg [dreg:$0x1];
	p0 =	sne.s32 s2, $0x0  }
0x177: {  	s3 =	rddreg [dreg:$0x2];
	[bflag:$0x3] =	sbarrier.arrive $0xFFFF;
	s2 =	simm.s32 @!p0 $0x1C03  }
0x178: {  	[timem:s3], [sflag:s2] =	dma.local @!p0 [hbm:s0], s1  }
0x179: {  	s0 =	simm.s32 @!p0 $0x3  }
0x17a: {  	_ =	swait.ge @!p0 [sflag:s0], s1  }
0x17b: {  	s1 =	ssub.s32 @!p0 $0x0, s1;
	[sflag:s0] =	ssyncset.done @!p0 $0x0  }
0x17c: {  	[sflag:s0] =	ssyncadd.s32 @!p0 s1  }
0x17d: {  	[bflag:$0x3] =	sbarrier.arrive $0xFFFF  }
0x17e: {  	_ =	shalt  }

</sc_bundles>
